<compile_context>
chip_gen: v7x
topology: tpu7x:2x2x1
jax: 0.10.2.dev20260603
libtpu: 0.0.44.dev20260713+nightly
codegen_flags: <defaults>
</compile_context>

<pallas_src>
import functools

import jax
import jax.numpy as jnp
from jax import lax
from jax.experimental import pallas as pl
from jax.experimental.pallas import tpu as pltpu
from jax.experimental.pallas import tpu_sc as plsc

N_NODES = 100000
N_EDGES = 6400000
BATCH = 64
BETA = 0.4

NPAD = 100352
ROWS = NPAD // 128
C1R = ROWS // 8
N_TILES = 32
CHUNK = 2048
CHUNK_W = 2 * CHUNK
NCHUNKS = N_EDGES // CHUNK
UNROLL = 8
W_WORDS = 3200


@functools.lru_cache(maxsize=None)
def _sc_segment_histogram():
    mesh = plsc.VectorSubcoreMesh(core_axis_name="c", subcore_axis_name="s")

    @functools.partial(
        pl.kernel,
        mesh=mesh,
        compiler_params=pltpu.CompilerParams(needs_layout_passes=False),
        out_type=jax.ShapeDtypeStruct((N_TILES * NPAD,), jnp.int32),
        scratch_types=[
            pltpu.VMEM((W_WORDS,), jnp.int32),
            pltpu.VMEM((NPAD,), jnp.int32),
            pltpu.VMEM((CHUNK_W,), jnp.int32),
            pltpu.VMEM((CHUNK_W,), jnp.int32),
            pltpu.SemaphoreType.DMA,
            pltpu.SemaphoreType.DMA,
        ],
    )
    def k(edges_hbm, words_hbm, out_hbm, words_v, agg_v,
          eb0, eb1, s0, s1):
        wid = lax.axis_index("s") * 2 + lax.axis_index("c")
        nck = 97 + jnp.where(wid < NCHUNKS - 32 * 97, 1, 0)

        pltpu.sync_copy(words_hbm, words_v)

        zvec = jnp.zeros((16,), jnp.int32)

        def zero_body(i, _):
            for u in range(16):
                agg_v[pl.ds(i * 256 + u * 16, 16)] = zvec
            return 0
        lax.fori_loop(0, NPAD // 256, zero_body, 0)

        ebufs = (eb0, eb1)
        sems = (s0, s1)

        def start(kk, b):
            off = (wid + kk * N_TILES) * CHUNK_W
            pltpu.async_copy(edges_hbm.at[pl.ds(off, CHUNK_W)],
                             ebufs[b], sems[b])

        def wait(kk, b):
            off = (wid + kk * N_TILES) * CHUNK_W
            pltpu.make_async_copy(edges_hbm.at[pl.ds(off, CHUNK_W)],
                                  ebufs[b], sems[b]).wait()

        def process(b):
            eb = ebufs[b]
            def body(j, _):
                offs = [j * 256 + u * 16 for u in range(UNROLL)]
                e1vs = [eb[pl.ds(o + 128, 16)] for o in offs]
                e0vs = [eb[pl.ds(o, 16)] for o in offs]
                wvs = [plsc.load_gather(words_v, [v >> 5]) for v in e1vs]
                bits = [(w >> (v & 31)) & 1 for w, v in zip(wvs, e1vs)]
                for e0v, bit in zip(e0vs, bits):
                    plsc.addupdate_scatter(agg_v, [e0v], bit)
                return 0
            lax.fori_loop(0, CHUNK // (UNROLL * 16), body, 0)

        start(0, 0)

        def outer(k2, _):
            kk = k2 * 2
            @pl.when(kk + 1 < nck)
            def _():
                start(kk + 1, 1)
            wait(kk, 0)
            process(0)
            @pl.when(kk + 1 < nck)
            def _():
                @pl.when(kk + 2 < nck)
                def _():
                    start(kk + 2, 0)
                wait(kk + 1, 1)
                process(1)
            return 0
        lax.fori_loop(0, 49, outer, 0)

        pltpu.sync_copy(agg_v, out_hbm.at[pl.ds(wid * NPAD, NPAD)])

    return k


def _tc_epilogue(crit_ref, unl_ref, parts_ref, vals_ref, ids_ref,
                 x_ref, c1_ref):
    idx2d = (lax.broadcasted_iota(jnp.int32, (ROWS, 128), 0) * 128
             + lax.broadcasted_iota(jnp.int32, (ROWS, 128), 1))
    valid = idx2d < N_NODES

    agg = jnp.sum(parts_ref[...], axis=0).astype(jnp.float32)

    craw = crit_ref[...]
    big = jnp.float32(3.0e38)
    cmin = jnp.min(jnp.where(valid, craw, big))
    cmax = jnp.max(jnp.where(valid, craw, -big))
    c = (craw - cmin) / (cmax - cmin)

    lraw = jnp.log(agg + 1e-5)
    lmin = jnp.min(jnp.where(valid, lraw, big))
    lmax = jnp.max(jnp.where(valid, lraw, -big))
    conf = (lraw - lmin) / (lmax - lmin)

    crit = ((1.0 - BETA) * c + BETA * conf) * unl_ref[...]
    crit = jnp.where(valid, crit, -big)
    x_ref[...] = crit

    def c1_body(r, _):
        c1_ref[pl.ds(r, 1), :] = jnp.max(
            x_ref[pl.ds(r * 8, 8), :], axis=0, keepdims=True)
        return 0
    lax.fori_loop(0, C1R, c1_body, 0)

    col64 = lax.broadcasted_iota(jnp.int32, (1, 64), 1)
    row98 = lax.broadcasted_iota(jnp.int32, (C1R, 128), 0)
    bidx_loc = (lax.broadcasted_iota(jnp.int32, (8, 128), 0) * 128
                + lax.broadcasted_iota(jnp.int32, (8, 128), 1))
    imax = jnp.int32(2**31 - 1)

    def body(t, carry):
        vals, ids = carry
        c1 = c1_ref[...]
        m = jnp.max(c1)
        b = jnp.min(jnp.where(c1 == m, row98, jnp.int32(C1R)))
        blk = x_ref[pl.ds(b * 8, 8), :]
        bidx = b * 1024 + bidx_loc
        cand = jnp.min(jnp.where(blk == m, bidx, imax))
        vals = jnp.where(col64 == t, m, vals)
        ids = jnp.where(col64 == t, cand, ids)
        nblk = jnp.where(bidx == cand, -big, blk)
        x_ref[pl.ds(b * 8, 8), :] = nblk
        c1_ref[pl.ds(b, 1), :] = jnp.max(nblk, axis=0, keepdims=True)
        return vals, ids

    vals, ids = lax.fori_loop(
        0, BATCH, body,
        (jnp.zeros((1, 64), jnp.float32), jnp.zeros((1, 64), jnp.int32)))
    vals_ref[...] = vals
    ids_ref[...] = ids


def kernel(criteria, edge_index, unlabeled_mask):
    edges = jnp.transpose(
        edge_index.astype(jnp.int32).reshape(2, N_EDGES // 128, 128),
        (1, 0, 2)).reshape(2 * N_EDGES)

    bits = unlabeled_mask.astype(jnp.int32)
    words = jnp.sum(bits.reshape(3125, 32) << jnp.arange(32, dtype=jnp.int32)[None, :],
                    axis=1).astype(jnp.int32)
    words = jnp.concatenate([words, jnp.zeros((W_WORDS - 3125,), jnp.int32)])

    parts = _sc_segment_histogram()(edges, words).reshape(N_TILES, ROWS, 128)

    pad = NPAD - N_NODES
    crit2d = jnp.concatenate([criteria, jnp.zeros((pad,), jnp.float32)]).reshape(ROWS, 128)
    unl2d = jnp.concatenate([unlabeled_mask.astype(jnp.float32),
                             jnp.zeros((pad,), jnp.float32)]).reshape(ROWS, 128)

    vals, ids = pl.pallas_call(
        _tc_epilogue,
        out_shape=[
            jax.ShapeDtypeStruct((1, 64), jnp.float32),
            jax.ShapeDtypeStruct((1, 64), jnp.int32),
        ],
        scratch_shapes=[
            pltpu.VMEM((ROWS, 128), jnp.float32),
            pltpu.VMEM((C1R, 128), jnp.float32),
        ],
    )(crit2d, unl2d, parts)
    return vals.reshape(64), ids.reshape(64)

# --- scband reference (transcript-rebuilt; emitter-appended) ---
"""Pipeline reference for scband-active-learner-89635967468166 (READ-ONLY COPY).

The authoritative reference and input builder live on the scoring server;
editing this copy changes nothing except your own understanding.
"""

import jax, jax.numpy as jnp
import numpy as np

N_NODES = 100000
N_EDGES = 6400000
BATCH_SIZE = 64
UCB_BETA = 0.4

def setup_inputs(seed: int = 0) -> dict:
    key = jax.random.key(seed)
    k1, k2, k3 = jax.random.split(key, 3)
    criteria = jax.random.normal(k1, (N_NODES,), dtype=jnp.float32)
    edge_index = jax.random.randint(k2, (2, N_EDGES), 0, N_NODES, dtype=jnp.int64)
    unlabeled_mask = jax.random.randint(k3, (N_NODES,), 0, 2, dtype=jnp.int32).astype(jnp.bool_)
    return {"criteria": criteria, "edge_index": edge_index, "unlabeled_mask": unlabeled_mask}

def reference(criteria, edge_index, unlabeled_mask):
    # Faithful translation of the UCB top-k query-selection core of ActiveLearner.forward:
    #   criteria = (criteria - min) / (max - min)
    #   conf = log(sparse_adj @ unlabeled_mask.float() + 1e-5)  -- sparse mm via segment_sum over edges
    #   conf = (conf - min) / (max - min)
    #   criteria = alpha * criteria + ucb_beta * conf
    #   criteria *= unlabeled_mask.float()
    #   _, query_ids = criteria.topk(batch_size, largest=True)
    ucb_beta = UCB_BETA
    c = (criteria - criteria.min()) / (criteria.max() - criteria.min())
    unl = unlabeled_mask.astype(jnp.float32)
    # torch.sparse.mm(adj, unlabeled_mask.float().view(-1,1)).view(-1)
    gathered = jnp.take(unl, edge_index[1], axis=0)
    agg = jax.ops.segment_sum(gathered, edge_index[0], num_segments=N_NODES)
    conf = jnp.log(agg + 1e-05)
    conf = (conf - conf.min()) / (conf.max() - conf.min())
    alpha = 1.0 - ucb_beta
    crit = alpha * c + ucb_beta * conf
    crit = crit * unl
    topk_vals, query_ids = jax.lax.top_k(crit, BATCH_SIZE)
    return topk_vals, query_ids

if __name__ == "__main__":
    import jax
    _d = setup_inputs()
    print(jax.jit(kernel)(*tuple(_d.values())))

</pallas_src>

<mosaic_0001>
#map = affine_map<(d0, d1) -> (0)>
module attributes {stable_mosaic.version = 14 : i64} {
  func.func @k(%arg0: i32, %arg1: i32, %arg2: memref<12800000xi32, #tpu.memory_space<hbm>>, %arg3: memref<3200xi32, #tpu.memory_space<hbm>>, %arg4: memref<3211264xi32, #tpu.memory_space<hbm>>, %arg5: memref<3200xi32, #tpu.memory_space<vmem>>, %arg6: memref<100352xi32, #tpu.memory_space<vmem>>, %arg7: memref<4096xi32, #tpu.memory_space<vmem>>, %arg8: memref<4096xi32, #tpu.memory_space<vmem>>, %arg9: memref<!tpu.dma_semaphore, #tpu.memory_space<semaphore_mem>>, %arg10: memref<!tpu.dma_semaphore, #tpu.memory_space<semaphore_mem>>) attributes {dimension_semantics = [#tpu.dimension_semantics<core_parallel>, #tpu.dimension_semantics<subcore_parallel>], iteration_bounds = array<i64: 2, 16>, scalar_prefetch = 0 : i64, scratch_operands = 6 : i64, tpu.core_type = #tpu.core_type<sc_vector_subcore>, window_params = [{transform_indices = #map}, {transform_indices = #map}, {transform_indices = #map}]} {
    %mul3A = arith.constant 2 : i32
    %mul3A_0 = arith.muli %arg1, %mul3A : i32
    %add3A = arith.addi %mul3A_0, %arg0 : i32
    %lt3A = arith.constant 21 : i32
    %lt3A_1 = arith.cmpi slt, %add3A, %lt3A : i32
    %jit3A = arith.constant 1 : i32
    %jit3A_2 = arith.constant 0 : i32
    %select_n3A = arith.select %lt3A_1, %jit3A, %jit3A_2 : i32
    %add3A_3 = arith.constant 97 : i32
    %add3A_4 = arith.addi %add3A_3, %select_n3A : i32
    "tpu.region"() ({
      %run_scoped3A = tpu.sem_alloc : memref<!tpu.dma_semaphore, #tpu.memory_space<semaphore_mem>>
      tpu.enqueue_dma source(%arg3 : memref<3200xi32, #tpu.memory_space<hbm>>) target(%arg5 : memref<3200xi32, #tpu.memory_space<vmem>>) target_semaphore(%run_scoped3A : memref<!tpu.dma_semaphore, #tpu.memory_space<semaphore_mem>>)
      tpu.wait_dma2 semaphore(%run_scoped3A : memref<!tpu.dma_semaphore, #tpu.memory_space<semaphore_mem>>) src(%arg3 : memref<3200xi32, #tpu.memory_space<hbm>>) dst(%arg5 : memref<3200xi32, #tpu.memory_space<vmem>>)
      tpu.yield
    }) : () -> ()
    %broadcast_in_dim3A = arith.constant 0 : i32
    %broadcast_in_dim3A_5 = vector.broadcast %broadcast_in_dim3A : i32 to vector<16xi32>
    %scan3A = arith.constant 0 : i32
    %scan3A_6 = arith.constant 0 : i32
    %scan3A_7 = arith.constant 392 : i32
    %scan3A_8 = arith.addi %scan3A_6, %scan3A_7 : i32
    %scan3A_9 = arith.constant 1 : i32
    %scan3A_10 = scf.for %scan3A_26 = %scan3A_6 to %scan3A_8 step %scan3A_9 iter_args(%scan3A_27 = %scan3A) -> (i32)  : i32 {
      %mul3A_28 = arith.constant 256 : i32
      %mul3A_29 = arith.muli %scan3A_26, %mul3A_28 : i32
      %add3A_30 = arith.constant 0 : i32
      %add3A_31 = arith.addi %mul3A_29, %add3A_30 : i32
      %swap3A = arith.index_cast %add3A_31 : i32 to index
      %swap3A_32 = tpu.vector_load %arg6[%swap3A] {strides = array<i32>} : memref<100352xi32, #tpu.memory_space<vmem>>, vector<16xi32>,
      tpu.vector_store %arg6[%swap3A], %broadcast_in_dim3A_5 {strides = array<i32>} : memref<100352xi32, #tpu.memory_space<vmem>>, vector<16xi32>,
      %mul3A_33 = arith.constant 256 : i32
      %mul3A_34 = arith.muli %scan3A_26, %mul3A_33 : i32
      %add3A_35 = arith.constant 16 : i32
      %add3A_36 = arith.addi %mul3A_34, %add3A_35 : i32
      %swap3A_37 = arith.index_cast %add3A_36 : i32 to index
      %swap3A_38 = tpu.vector_load %arg6[%swap3A_37] {strides = array<i32>} : memref<100352xi32, #tpu.memory_space<vmem>>, vector<16xi32>,
      tpu.vector_store %arg6[%swap3A_37], %broadcast_in_dim3A_5 {strides = array<i32>} : memref<100352xi32, #tpu.memory_space<vmem>>, vector<16xi32>,
      %mul3A_39 = arith.constant 256 : i32
      %mul3A_40 = arith.muli %scan3A_26, %mul3A_39 : i32
      %add3A_41 = arith.constant 32 : i32
      %add3A_42 = arith.addi %mul3A_40, %add3A_41 : i32
      %swap3A_43 = arith.index_cast %add3A_42 : i32 to index
      %swap3A_44 = tpu.vector_load %arg6[%swap3A_43] {strides = array<i32>} : memref<100352xi32, #tpu.memory_space<vmem>>, vector<16xi32>,
      tpu.vector_store %arg6[%swap3A_43], %broadcast_in_dim3A_5 {strides = array<i32>} : memref<100352xi32, #tpu.memory_space<vmem>>, vector<16xi32>,
      %mul3A_45 = arith.constant 256 : i32
      %mul3A_46 = arith.muli %scan3A_26, %mul3A_45 : i32
      %add3A_47 = arith.constant 48 : i32
      %add3A_48 = arith.addi %mul3A_46, %add3A_47 : i32
      %swap3A_49 = arith.index_cast %add3A_48 : i32 to index
      %swap3A_50 = tpu.vector_load %arg6[%swap3A_49] {strides = array<i32>} : memref<100352xi32, #tpu.memory_space<vmem>>, vector<16xi32>,
      tpu.vector_store %arg6[%swap3A_49], %broadcast_in_dim3A_5 {strides = array<i32>} : memref<100352xi32, #tpu.memory_space<vmem>>, vector<16xi32>,
      %mul3A_51 = arith.constant 256 : i32
      %mul3A_52 = arith.muli %scan3A_26, %mul3A_51 : i32
      %add3A_53 = arith.constant 64 : i32
      %add3A_54 = arith.addi %mul3A_52, %add3A_53 : i32
      %swap3A_55 = arith.index_cast %add3A_54 : i32 to index
      %swap3A_56 = tpu.vector_load %arg6[%swap3A_55] {strides = array<i32>} : memref<100352xi32, #tpu.memory_space<vmem>>, vector<16xi32>,
      tpu.vector_store %arg6[%swap3A_55], %broadcast_in_dim3A_5 {strides = array<i32>} : memref<100352xi32, #tpu.memory_space<vmem>>, vector<16xi32>,
      %mul3A_57 = arith.constant 256 : i32
      %mul3A_58 = arith.muli %scan3A_26, %mul3A_57 : i32
      %add3A_59 = arith.constant 80 : i32
      %add3A_60 = arith.addi %mul3A_58, %add3A_59 : i32
      %swap3A_61 = arith.index_cast %add3A_60 : i32 to index
      %swap3A_62 = tpu.vector_load %arg6[%swap3A_61] {strides = array<i32>} : memref<100352xi32, #tpu.memory_space<vmem>>, vector<16xi32>,
      tpu.vector_store %arg6[%swap3A_61], %broadcast_in_dim3A_5 {strides = array<i32>} : memref<100352xi32, #tpu.memory_space<vmem>>, vector<16xi32>,
      %mul3A_63 = arith.constant 256 : i32
      %mul3A_64 = arith.muli %scan3A_26, %mul3A_63 : i32
      %add3A_65 = arith.constant 96 : i32
      %add3A_66 = arith.addi %mul3A_64, %add3A_65 : i32
      %swap3A_67 = arith.index_cast %add3A_66 : i32 to index
      %swap3A_68 = tpu.vector_load %arg6[%swap3A_67] {strides = array<i32>} : memref<100352xi32, #tpu.memory_space<vmem>>, vector<16xi32>,
      tpu.vector_store %arg6[%swap3A_67], %broadcast_in_dim3A_5 {strides = array<i32>} : memref<100352xi32, #tpu.memory_space<vmem>>, vector<16xi32>,
      %mul3A_69 = arith.constant 256 : i32
      %mul3A_70 = arith.muli %scan3A_26, %mul3A_69 : i32
      %add3A_71 = arith.constant 112 : i32
      %add3A_72 = arith.addi %mul3A_70, %add3A_71 : i32
      %swap3A_73 = arith.index_cast %add3A_72 : i32 to index
      %swap3A_74 = tpu.vector_load %arg6[%swap3A_73] {strides = array<i32>} : memref<100352xi32, #tpu.memory_space<vmem>>, vector<16xi32>,
      tpu.vector_store %arg6[%swap3A_73], %broadcast_in_dim3A_5 {strides = array<i32>} : memref<100352xi32, #tpu.memory_space<vmem>>, vector<16xi32>,
      %mul3A_75 = arith.constant 256 : i32
      %mul3A_76 = arith.muli %scan3A_26, %mul3A_75 : i32
      %add3A_77 = arith.constant 128 : i32
      %add3A_78 = arith.addi %mul3A_76, %add3A_77 : i32
      %swap3A_79 = arith.index_cast %add3A_78 : i32 to index
      %swap3A_80 = tpu.vector_load %arg6[%swap3A_79] {strides = array<i32>} : memref<100352xi32, #tpu.memory_space<vmem>>, vector<16xi32>,
      tpu.vector_store %arg6[%swap3A_79], %broadcast_in_dim3A_5 {strides = array<i32>} : memref<100352xi32, #tpu.memory_space<vmem>>, vector<16xi32>,
      %mul3A_81 = arith.constant 256 : i32
      %mul3A_82 = arith.muli %scan3A_26, %mul3A_81 : i32
      %add3A_83 = arith.constant 144 : i32
      %add3A_84 = arith.addi %mul3A_82, %add3A_83 : i32
      %swap3A_85 = arith.index_cast %add3A_84 : i32 to index
      %swap3A_86 = tpu.vector_load %arg6[%swap3A_85] {strides = array<i32>} : memref<100352xi32, #tpu.memory_space<vmem>>, vector<16xi32>,
      tpu.vector_store %arg6[%swap3A_85], %broadcast_in_dim3A_5 {strides = array<i32>} : memref<100352xi32, #tpu.memory_space<vmem>>, vector<16xi32>,
      %mul3A_87 = arith.constant 256 : i32
      %mul3A_88 = arith.muli %scan3A_26, %mul3A_87 : i32
      %add3A_89 = arith.constant 160 : i32
      %add3A_90 = arith.addi %mul3A_88, %add3A_89 : i32
      %swap3A_91 = arith.index_cast %add3A_90 : i32 to index
      %swap3A_92 = tpu.vector_load %arg6[%swap3A_91] {strides = array<i32>} : memref<100352xi32, #tpu.memory_space<vmem>>, vector<16xi32>,
      tpu.vector_store %arg6[%swap3A_91], %broadcast_in_dim3A_5 {strides = array<i32>} : memref<100352xi32, #tpu.memory_space<vmem>>, vector<16xi32>,
      %mul3A_93 = arith.constant 256 : i32
      %mul3A_94 = arith.muli %scan3A_26, %mul3A_93 : i32
      %add3A_95 = arith.constant 176 : i32
      %add3A_96 = arith.addi %mul3A_94, %add3A_95 : i32
      %swap3A_97 = arith.index_cast %add3A_96 : i32 to index
      %swap3A_98 = tpu.vector_load %arg6[%swap3A_97] {strides = array<i32>} : memref<100352xi32, #tpu.memory_space<vmem>>, vector<16xi32>,
      tpu.vector_store %arg6[%swap3A_97], %broadcast_in_dim3A_5 {strides = array<i32>} : memref<100352xi32, #tpu.memory_space<vmem>>, vector<16xi32>,
      %mul3A_99 = arith.constant 256 : i32
      %mul3A_100 = arith.muli %scan3A_26, %mul3A_99 : i32
      %add3A_101 = arith.constant 192 : i32
      %add3A_102 = arith.addi %mul3A_100, %add3A_101 : i32
      %swap3A_103 = arith.index_cast %add3A_102 : i32 to index
      %swap3A_104 = tpu.vector_load %arg6[%swap3A_103] {strides = array<i32>} : memref<100352xi32, #tpu.memory_space<vmem>>, vector<16xi32>,
      tpu.vector_store %arg6[%swap3A_103], %broadcast_in_dim3A_5 {strides = array<i32>} : memref<100352xi32, #tpu.memory_space<vmem>>, vector<16xi32>,
      %mul3A_105 = arith.constant 256 : i32
      %mul3A_106 = arith.muli %scan3A_26, %mul3A_105 : i32
      %add3A_107 = arith.constant 208 : i32
      %add3A_108 = arith.addi %mul3A_106, %add3A_107 : i32
      %swap3A_109 = arith.index_cast %add3A_108 : i32 to index
      %swap3A_110 = tpu.vector_load %arg6[%swap3A_109] {strides = array<i32>} : memref<100352xi32, #tpu.memory_space<vmem>>, vector<16xi32>,
      tpu.vector_store %arg6[%swap3A_109], %broadcast_in_dim3A_5 {strides = array<i32>} : memref<100352xi32, #tpu.memory_space<vmem>>, vector<16xi32>,
      %mul3A_111 = arith.constant 256 : i32
      %mul3A_112 = arith.muli %scan3A_26, %mul3A_111 : i32
      %add3A_113 = arith.constant 224 : i32
      %add3A_114 = arith.addi %mul3A_112, %add3A_113 : i32
      %swap3A_115 = arith.index_cast %add3A_114 : i32 to index
      %swap3A_116 = tpu.vector_load %arg6[%swap3A_115] {strides = array<i32>} : memref<100352xi32, #tpu.memory_space<vmem>>, vector<16xi32>,
      tpu.vector_store %arg6[%swap3A_115], %broadcast_in_dim3A_5 {strides = array<i32>} : memref<100352xi32, #tpu.memory_space<vmem>>, vector<16xi32>,
      %mul3A_117 = arith.constant 256 : i32
      %mul3A_118 = arith.muli %scan3A_26, %mul3A_117 : i32
      %add3A_119 = arith.constant 240 : i32
      %add3A_120 = arith.addi %mul3A_118, %add3A_119 : i32
      %swap3A_121 = arith.index_cast %add3A_120 : i32 to index
      %swap3A_122 = tpu.vector_load %arg6[%swap3A_121] {strides = array<i32>} : memref<100352xi32, #tpu.memory_space<vmem>>, vector<16xi32>,
      tpu.vector_store %arg6[%swap3A_121], %broadcast_in_dim3A_5 {strides = array<i32>} : memref<100352xi32, #tpu.memory_space<vmem>>, vector<16xi32>,
      %scan3A_123 = arith.constant 0 : i32
      scf.yield %scan3A_123 : i32
    }
    %scan3A_11 = arith.constant 392 : i32
    %add3A_12 = arith.constant 0 : i32
    %add3A_13 = arith.addi %add3A, %add3A_12 : i32
    %mul3A_14 = arith.constant 4096 : i32
    %mul3A_15 = arith.muli %add3A_13, %mul3A_14 : i32
    %dma_start3A = tpu.memref_slice %arg2[%mul3A_15] : memref<12800000xi32, #tpu.memory_space<hbm>> -> memref<4096xi32, #tpu.memory_space<hbm>>
    %dma_start3A_16 = tpu.memref_slice %arg2[%mul3A_15] : memref<12800000xi32, #tpu.memory_space<hbm>> -> memref<4096xi32, #tpu.memory_space<hbm>>
    tpu.enqueue_dma source(%dma_start3A_16 : memref<4096xi32, #tpu.memory_space<hbm>>) target(%arg7 : memref<4096xi32, #tpu.memory_space<vmem>>) target_semaphore(%arg9 : memref<!tpu.dma_semaphore, #tpu.memory_space<semaphore_mem>>)
    %scan3A_17 = arith.constant 0 : i32
    %scan3A_18 = arith.constant 0 : i32
    %scan3A_19 = arith.constant 49 : i32
    %scan3A_20 = arith.addi %scan3A_18, %scan3A_19 : i32
    %scan3A_21 = arith.constant 1 : i32
    %scan3A_22 = scf.for %scan3A_26 = %scan3A_18 to %scan3A_20 step %scan3A_21 iter_args(%scan3A_27 = %scan3A_17) -> (i32)  : i32 {
      %mul3A_28 = arith.constant 2 : i32
      %mul3A_29 = arith.muli %scan3A_26, %mul3A_28 : i32
      %add3A_30 = arith.constant 1 : i32
      %add3A_31 = arith.addi %mul3A_29, %add3A_30 : i32
      %lt3A_32 = arith.cmpi slt, %add3A_31, %add3A_4 : i32
      %convert_element_type3A = arith.extui %lt3A_32 : i1 to i32
      %cond3A = arith.constant 0 : i32
      %cond3A_33 = arith.cmpi ne, %convert_element_type3A, %cond3A : i32
      scf.if %cond3A_33 {
        %add3A_54 = arith.constant 1 : i32
        %add3A_55 = arith.addi %mul3A_29, %add3A_54 : i32
        %mul3A_56 = arith.constant 32 : i32
        %mul3A_57 = arith.muli %add3A_55, %mul3A_56 : i32
        %add3A_58 = arith.addi %add3A, %mul3A_57 : i32
        %mul3A_59 = arith.constant 4096 : i32
        %mul3A_60 = arith.muli %add3A_58, %mul3A_59 : i32
        %dma_start3A_61 = tpu.memref_slice %arg2[%mul3A_60] : memref<12800000xi32, #tpu.memory_space<hbm>> -> memref<4096xi32, #tpu.memory_space<hbm>>
        %dma_start3A_62 = tpu.memref_slice %arg2[%mul3A_60] : memref<12800000xi32, #tpu.memory_space<hbm>> -> memref<4096xi32, #tpu.memory_space<hbm>>
        tpu.enqueue_dma source(%dma_start3A_62 : memref<4096xi32, #tpu.memory_space<hbm>>) target(%arg8 : memref<4096xi32, #tpu.memory_space<vmem>>) target_semaphore(%arg10 : memref<!tpu.dma_semaphore, #tpu.memory_space<semaphore_mem>>)
      } else {
      }
      %mul3A_34 = arith.constant 32 : i32
      %mul3A_35 = arith.muli %mul3A_29, %mul3A_34 : i32
      %add3A_36 = arith.addi %add3A, %mul3A_35 : i32
      %mul3A_37 = arith.constant 4096 : i32
      %mul3A_38 = arith.muli %add3A_36, %mul3A_37 : i32
      %dma_wait3A = tpu.memref_slice %arg2[%mul3A_38] : memref<12800000xi32, #tpu.memory_space<hbm>> -> memref<4096xi32, #tpu.memory_space<hbm>>
      %dma_wait3A_39 = tpu.memref_slice %arg2[%mul3A_38] : memref<12800000xi32, #tpu.memory_space<hbm>> -> memref<4096xi32, #tpu.memory_space<hbm>>
      tpu.wait_dma2 semaphore(%arg9 : memref<!tpu.dma_semaphore, #tpu.memory_space<semaphore_mem>>) src(%dma_wait3A_39 : memref<4096xi32, #tpu.memory_space<hbm>>) dst(%arg7 : memref<4096xi32, #tpu.memory_space<vmem>>)
      %scan3A_40 = arith.constant 0 : i32
      %scan3A_41 = arith.constant 0 : i32
      %scan3A_42 = arith.constant 16 : i32
      %scan3A_43 = arith.addi %scan3A_41, %scan3A_42 : i32
      %scan3A_44 = arith.constant 1 : i32
      %scan3A_45 = scf.for %scan3A_54 = %scan3A_41 to %scan3A_43 step %scan3A_44 iter_args(%scan3A_55 = %scan3A_40) -> (i32)  : i32 {
        %mul3A_56 = arith.constant 256 : i32
        %mul3A_57 = arith.muli %scan3A_54, %mul3A_56 : i32
        %add3A_58 = arith.constant 0 : i32
        %add3A_59 = arith.addi %mul3A_57, %add3A_58 : i32
        %mul3A_60 = arith.constant 256 : i32
        %mul3A_61 = arith.muli %scan3A_54, %mul3A_60 : i32
        %add3A_62 = arith.constant 16 : i32
        %add3A_63 = arith.addi %mul3A_61, %add3A_62 : i32
        %mul3A_64 = arith.constant 256 : i32
        %mul3A_65 = arith.muli %scan3A_54, %mul3A_64 : i32
        %add3A_66 = arith.constant 32 : i32
        %add3A_67 = arith.addi %mul3A_65, %add3A_66 : i32
        %mul3A_68 = arith.constant 256 : i32
        %mul3A_69 = arith.muli %scan3A_54, %mul3A_68 : i32
        %add3A_70 = arith.constant 48 : i32
        %add3A_71 = arith.addi %mul3A_69, %add3A_70 : i32
        %mul3A_72 = arith.constant 256 : i32
        %mul3A_73 = arith.muli %scan3A_54, %mul3A_72 : i32
        %add3A_74 = arith.constant 64 : i32
        %add3A_75 = arith.addi %mul3A_73, %add3A_74 : i32
        %mul3A_76 = arith.constant 256 : i32
        %mul3A_77 = arith.muli %scan3A_54, %mul3A_76 : i32
        %add3A_78 = arith.constant 80 : i32
        %add3A_79 = arith.addi %mul3A_77, %add3A_78 : i32
        %mul3A_80 = arith.constant 256 : i32
        %mul3A_81 = arith.muli %scan3A_54, %mul3A_80 : i32
        %add3A_82 = arith.constant 96 : i32
        %add3A_83 = arith.addi %mul3A_81, %add3A_82 : i32
        %mul3A_84 = arith.constant 256 : i32
        %mul3A_85 = arith.muli %scan3A_54, %mul3A_84 : i32
        %add3A_86 = arith.constant 112 : i32
        %add3A_87 = arith.addi %mul3A_85, %add3A_86 : i32
        %add3A_88 = arith.constant 128 : i32
        %add3A_89 = arith.addi %add3A_59, %add3A_88 : i32
        %get3A = arith.index_cast %add3A_89 : i32 to index
        %get3A_90 = tpu.vector_load %arg7[%get3A] {strides = array<i32>} : memref<4096xi32, #tpu.memory_space<vmem>>, vector<16xi32>,
        %add3A_91 = arith.constant 128 : i32
        %add3A_92 = arith.addi %add3A_63, %add3A_91 : i32
        %get3A_93 = arith.index_cast %add3A_92 : i32 to index
        %get3A_94 = tpu.vector_load %arg7[%get3A_93] {strides = array<i32>} : memref<4096xi32, #tpu.memory_space<vmem>>, vector<16xi32>,
        %add3A_95 = arith.constant 128 : i32
        %add3A_96 = arith.addi %add3A_67, %add3A_95 : i32
        %get3A_97 = arith.index_cast %add3A_96 : i32 to index
        %get3A_98 = tpu.vector_load %arg7[%get3A_97] {strides = array<i32>} : memref<4096xi32, #tpu.memory_space<vmem>>, vector<16xi32>,
        %add3A_99 = arith.constant 128 : i32
        %add3A_100 = arith.addi %add3A_71, %add3A_99 : i32
        %get3A_101 = arith.index_cast %add3A_100 : i32 to index
        %get3A_102 = tpu.vector_load %arg7[%get3A_101] {strides = array<i32>} : memref<4096xi32, #tpu.memory_space<vmem>>, vector<16xi32>,
        %add3A_103 = arith.constant 128 : i32
        %add3A_104 = arith.addi %add3A_75, %add3A_103 : i32
        %get3A_105 = arith.index_cast %add3A_104 : i32 to index
        %get3A_106 = tpu.vector_load %arg7[%get3A_105] {strides = array<i32>} : memref<4096xi32, #tpu.memory_space<vmem>>, vector<16xi32>,
        %add3A_107 = arith.constant 128 : i32
        %add3A_108 = arith.addi %add3A_79, %add3A_107 : i32
        %get3A_109 = arith.index_cast %add3A_108 : i32 to index
        %get3A_110 = tpu.vector_load %arg7[%get3A_109] {strides = array<i32>} : memref<4096xi32, #tpu.memory_space<vmem>>, vector<16xi32>,
        %add3A_111 = arith.constant 128 : i32
        %add3A_112 = arith.addi %add3A_83, %add3A_111 : i32
        %get3A_113 = arith.index_cast %add3A_112 : i32 to index
        %get3A_114 = tpu.vector_load %arg7[%get3A_113] {strides = array<i32>} : memref<4096xi32, #tpu.memory_space<vmem>>, vector<16xi32>,
        %add3A_115 = arith.constant 128 : i32
        %add3A_116 = arith.addi %add3A_87, %add3A_115 : i32
        %get3A_117 = arith.index_cast %add3A_116 : i32 to index
        %get3A_118 = tpu.vector_load %arg7[%get3A_117] {strides = array<i32>} : memref<4096xi32, #tpu.memory_space<vmem>>, vector<16xi32>,
        %get3A_119 = arith.index_cast %add3A_59 : i32 to index
        %get3A_120 = tpu.vector_load %arg7[%get3A_119] {strides = array<i32>} : memref<4096xi32, #tpu.memory_space<vmem>>, vector<16xi32>,
        %get3A_121 = arith.index_cast %add3A_63 : i32 to index
        %get3A_122 = tpu.vector_load %arg7[%get3A_121] {strides = array<i32>} : memref<4096xi32, #tpu.memory_space<vmem>>, vector<16xi32>,
        %get3A_123 = arith.index_cast %add3A_67 : i32 to index
        %get3A_124 = tpu.vector_load %arg7[%get3A_123] {strides = array<i32>} : memref<4096xi32, #tpu.memory_space<vmem>>, vector<16xi32>,
        %get3A_125 = arith.index_cast %add3A_71 : i32 to index
        %get3A_126 = tpu.vector_load %arg7[%get3A_125] {strides = array<i32>} : memref<4096xi32, #tpu.memory_space<vmem>>, vector<16xi32>,
        %get3A_127 = arith.index_cast %add3A_75 : i32 to index
        %get3A_128 = tpu.vector_load %arg7[%get3A_127] {strides = array<i32>} : memref<4096xi32, #tpu.memory_space<vmem>>, vector<16xi32>,
        %get3A_129 = arith.index_cast %add3A_79 : i32 to index
        %get3A_130 = tpu.vector_load %arg7[%get3A_129] {strides = array<i32>} : memref<4096xi32, #tpu.memory_space<vmem>>, vector<16xi32>,
        %get3A_131 = arith.index_cast %add3A_83 : i32 to index
        %get3A_132 = tpu.vector_load %arg7[%get3A_131] {strides = array<i32>} : memref<4096xi32, #tpu.memory_space<vmem>>, vector<16xi32>,
        %get3A_133 = arith.index_cast %add3A_87 : i32 to index
        %get3A_134 = tpu.vector_load %arg7[%get3A_133] {strides = array<i32>} : memref<4096xi32, #tpu.memory_space<vmem>>, vector<16xi32>,
        %shift_right_arithmetic3A = arith.constant 5 : i32
        %shift_right_arithmetic3A_135 = vector.broadcast %shift_right_arithmetic3A : i32 to vector<16xi32>
        %shift_right_arithmetic3A_136 = arith.shrsi %get3A_90, %shift_right_arithmetic3A_135 : vector<16xi32>
        %gather3A = tpu.vector_load_idx %arg5[%shift_right_arithmetic3A_136] : memref<3200xi32, #tpu.memory_space<vmem>>[vector<16xi32>], vector<16xi32>,
        %shift_right_arithmetic3A_137 = arith.constant 5 : i32
        %shift_right_arithmetic3A_138 = vector.broadcast %shift_right_arithmetic3A_137 : i32 to vector<16xi32>
        %shift_right_arithmetic3A_139 = arith.shrsi %get3A_94, %shift_right_arithmetic3A_138 : vector<16xi32>
        %gather3A_140 = tpu.vector_load_idx %arg5[%shift_right_arithmetic3A_139] : memref<3200xi32, #tpu.memory_space<vmem>>[vector<16xi32>], vector<16xi32>,
        %shift_right_arithmetic3A_141 = arith.constant 5 : i32
        %shift_right_arithmetic3A_142 = vector.broadcast %shift_right_arithmetic3A_141 : i32 to vector<16xi32>
        %shift_right_arithmetic3A_143 = arith.shrsi %get3A_98, %shift_right_arithmetic3A_142 : vector<16xi32>
        %gather3A_144 = tpu.vector_load_idx %arg5[%shift_right_arithmetic3A_143] : memref<3200xi32, #tpu.memory_space<vmem>>[vector<16xi32>], vector<16xi32>,
        %shift_right_arithmetic3A_145 = arith.constant 5 : i32
        %shift_right_arithmetic3A_146 = vector.broadcast %shift_right_arithmetic3A_145 : i32 to vector<16xi32>
        %shift_right_arithmetic3A_147 = arith.shrsi %get3A_102, %shift_right_arithmetic3A_146 : vector<16xi32>
        %gather3A_148 = tpu.vector_load_idx %arg5[%shift_right_arithmetic3A_147] : memref<3200xi32, #tpu.memory_space<vmem>>[vector<16xi32>], vector<16xi32>,
        %shift_right_arithmetic3A_149 = arith.constant 5 : i32
        %shift_right_arithmetic3A_150 = vector.broadcast %shift_right_arithmetic3A_149 : i32 to vector<16xi32>
        %shift_right_arithmetic3A_151 = arith.shrsi %get3A_106, %shift_right_arithmetic3A_150 : vector<16xi32>
        %gather3A_152 = tpu.vector_load_idx %arg5[%shift_right_arithmetic3A_151] : memref<3200xi32, #tpu.memory_space<vmem>>[vector<16xi32>], vector<16xi32>,
        %shift_right_arithmetic3A_153 = arith.constant 5 : i32
        %shift_right_arithmetic3A_154 = vector.broadcast %shift_right_arithmetic3A_153 : i32 to vector<16xi32>
        %shift_right_arithmetic3A_155 = arith.shrsi %get3A_110, %shift_right_arithmetic3A_154 : vector<16xi32>
        %gather3A_156 = tpu.vector_load_idx %arg5[%shift_right_arithmetic3A_155] : memref<3200xi32, #tpu.memory_space<vmem>>[vector<16xi32>], vector<16xi32>,
        %shift_right_arithmetic3A_157 = arith.constant 5 : i32
        %shift_right_arithmetic3A_158 = vector.broadcast %shift_right_arithmetic3A_157 : i32 to vector<16xi32>
        %shift_right_arithmetic3A_159 = arith.shrsi %get3A_114, %shift_right_arithmetic3A_158 : vector<16xi32>
        %gather3A_160 = tpu.vector_load_idx %arg5[%shift_right_arithmetic3A_159] : memref<3200xi32, #tpu.memory_space<vmem>>[vector<16xi32>], vector<16xi32>,
        %shift_right_arithmetic3A_161 = arith.constant 5 : i32
        %shift_right_arithmetic3A_162 = vector.broadcast %shift_right_arithmetic3A_161 : i32 to vector<16xi32>
        %shift_right_arithmetic3A_163 = arith.shrsi %get3A_118, %shift_right_arithmetic3A_162 : vector<16xi32>
        %gather3A_164 = tpu.vector_load_idx %arg5[%shift_right_arithmetic3A_163] : memref<3200xi32, #tpu.memory_space<vmem>>[vector<16xi32>], vector<16xi32>,
        %and3A = arith.constant 31 : i32
        %and3A_165 = vector.broadcast %and3A : i32 to vector<16xi32>
        %and3A_166 = arith.andi %get3A_90, %and3A_165 : vector<16xi32>
        %shift_right_arithmetic3A_167 = arith.shrsi %gather3A, %and3A_166 : vector<16xi32>
        %and3A_168 = arith.constant 1 : i32
        %and3A_169 = vector.broadcast %and3A_168 : i32 to vector<16xi32>
        %and3A_170 = arith.andi %shift_right_arithmetic3A_167, %and3A_169 : vector<16xi32>
        %and3A_171 = arith.constant 31 : i32
        %and3A_172 = vector.broadcast %and3A_171 : i32 to vector<16xi32>
        %and3A_173 = arith.andi %get3A_94, %and3A_172 : vector<16xi32>
        %shift_right_arithmetic3A_174 = arith.shrsi %gather3A_140, %and3A_173 : vector<16xi32>
        %and3A_175 = arith.constant 1 : i32
        %and3A_176 = vector.broadcast %and3A_175 : i32 to vector<16xi32>
        %and3A_177 = arith.andi %shift_right_arithmetic3A_174, %and3A_176 : vector<16xi32>
        %and3A_178 = arith.constant 31 : i32
        %and3A_179 = vector.broadcast %and3A_178 : i32 to vector<16xi32>
        %and3A_180 = arith.andi %get3A_98, %and3A_179 : vector<16xi32>
        %shift_right_arithmetic3A_181 = arith.shrsi %gather3A_144, %and3A_180 : vector<16xi32>
        %and3A_182 = arith.constant 1 : i32
        %and3A_183 = vector.broadcast %and3A_182 : i32 to vector<16xi32>
        %and3A_184 = arith.andi %shift_right_arithmetic3A_181, %and3A_183 : vector<16xi32>
        %and3A_185 = arith.constant 31 : i32
        %and3A_186 = vector.broadcast %and3A_185 : i32 to vector<16xi32>
        %and3A_187 = arith.andi %get3A_102, %and3A_186 : vector<16xi32>
        %shift_right_arithmetic3A_188 = arith.shrsi %gather3A_148, %and3A_187 : vector<16xi32>
        %and3A_189 = arith.constant 1 : i32
        %and3A_190 = vector.broadcast %and3A_189 : i32 to vector<16xi32>
        %and3A_191 = arith.andi %shift_right_arithmetic3A_188, %and3A_190 : vector<16xi32>
        %and3A_192 = arith.constant 31 : i32
        %and3A_193 = vector.broadcast %and3A_192 : i32 to vector<16xi32>
        %and3A_194 = arith.andi %get3A_106, %and3A_193 : vector<16xi32>
        %shift_right_arithmetic3A_195 = arith.shrsi %gather3A_152, %and3A_194 : vector<16xi32>
        %and3A_196 = arith.constant 1 : i32
        %and3A_197 = vector.broadcast %and3A_196 : i32 to vector<16xi32>
        %and3A_198 = arith.andi %shift_right_arithmetic3A_195, %and3A_197 : vector<16xi32>
        %and3A_199 = arith.constant 31 : i32
        %and3A_200 = vector.broadcast %and3A_199 : i32 to vector<16xi32>
        %and3A_201 = arith.andi %get3A_110, %and3A_200 : vector<16xi32>
        %shift_right_arithmetic3A_202 = arith.shrsi %gather3A_156, %and3A_201 : vector<16xi32>
        %and3A_203 = arith.constant 1 : i32
        %and3A_204 = vector.broadcast %and3A_203 : i32 to vector<16xi32>
        %and3A_205 = arith.andi %shift_right_arithmetic3A_202, %and3A_204 : vector<16xi32>
        %and3A_206 = arith.constant 31 : i32
        %and3A_207 = vector.broadcast %and3A_206 : i32 to vector<16xi32>
        %and3A_208 = arith.andi %get3A_114, %and3A_207 : vector<16xi32>
        %shift_right_arithmetic3A_209 = arith.shrsi %gather3A_160, %and3A_208 : vector<16xi32>
        %and3A_210 = arith.constant 1 : i32
        %and3A_211 = vector.broadcast %and3A_210 : i32 to vector<16xi32>
        %and3A_212 = arith.andi %shift_right_arithmetic3A_209, %and3A_211 : vector<16xi32>
        %and3A_213 = arith.constant 31 : i32
        %and3A_214 = vector.broadcast %and3A_213 : i32 to vector<16xi32>
        %and3A_215 = arith.andi %get3A_118, %and3A_214 : vector<16xi32>
        %shift_right_arithmetic3A_216 = arith.shrsi %gather3A_164, %and3A_215 : vector<16xi32>
        %and3A_217 = arith.constant 1 : i32
        %and3A_218 = vector.broadcast %and3A_217 : i32 to vector<16xi32>
        %and3A_219 = arith.andi %shift_right_arithmetic3A_216, %and3A_218 : vector<16xi32>
        tpu.vector_store_idx %arg6[%get3A_120], %and3A_170 {add = true} : memref<100352xi32, #tpu.memory_space<vmem>>[vector<16xi32>], vector<16xi32>,
        tpu.vector_store_idx %arg6[%get3A_122], %and3A_177 {add = true} : memref<100352xi32, #tpu.memory_space<vmem>>[vector<16xi32>], vector<16xi32>,
        tpu.vector_store_idx %arg6[%get3A_124], %and3A_184 {add = true} : memref<100352xi32, #tpu.memory_space<vmem>>[vector<16xi32>], vector<16xi32>,
        tpu.vector_store_idx %arg6[%get3A_126], %and3A_191 {add = true} : memref<100352xi32, #tpu.memory_space<vmem>>[vector<16xi32>], vector<16xi32>,
        tpu.vector_store_idx %arg6[%get3A_128], %and3A_198 {add = true} : memref<100352xi32, #tpu.memory_space<vmem>>[vector<16xi32>], vector<16xi32>,
        tpu.vector_store_idx %arg6[%get3A_130], %and3A_205 {add = true} : memref<100352xi32, #tpu.memory_space<vmem>>[vector<16xi32>], vector<16xi32>,
        tpu.vector_store_idx %arg6[%get3A_132], %and3A_212 {add = true} : memref<100352xi32, #tpu.memory_space<vmem>>[vector<16xi32>], vector<16xi32>,
        tpu.vector_store_idx %arg6[%get3A_134], %and3A_219 {add = true} : memref<100352xi32, #tpu.memory_space<vmem>>[vector<16xi32>], vector<16xi32>,
        %scan3A_220 = arith.constant 0 : i32
        scf.yield %scan3A_220 : i32
      }
      %scan3A_46 = arith.constant 16 : i32
      %add3A_47 = arith.constant 1 : i32
      %add3A_48 = arith.addi %mul3A_29, %add3A_47 : i32
      %lt3A_49 = arith.cmpi slt, %add3A_48, %add3A_4 : i32
      %convert_element_type3A_50 = arith.extui %lt3A_49 : i1 to i32
      %cond3A_51 = arith.constant 0 : i32
      %cond3A_52 = arith.cmpi ne, %convert_element_type3A_50, %cond3A_51 : i32
      scf.if %cond3A_52 {
        %add3A_54 = arith.constant 2 : i32
        %add3A_55 = arith.addi %mul3A_29, %add3A_54 : i32
        %lt3A_56 = arith.cmpi slt, %add3A_55, %add3A_4 : i32
        %convert_element_type3A_57 = arith.extui %lt3A_56 : i1 to i32
        %cond3A_58 = arith.constant 0 : i32
        %cond3A_59 = arith.cmpi ne, %convert_element_type3A_57, %cond3A_58 : i32
        scf.if %cond3A_59 {
          %add3A_76 = arith.constant 2 : i32
          %add3A_77 = arith.addi %mul3A_29, %add3A_76 : i32
          %mul3A_78 = arith.constant 32 : i32
          %mul3A_79 = arith.muli %add3A_77, %mul3A_78 : i32
          %add3A_80 = arith.addi %add3A, %mul3A_79 : i32
          %mul3A_81 = arith.constant 4096 : i32
          %mul3A_82 = arith.muli %add3A_80, %mul3A_81 : i32
          %dma_start3A_83 = tpu.memref_slice %arg2[%mul3A_82] : memref<12800000xi32, #tpu.memory_space<hbm>> -> memref<4096xi32, #tpu.memory_space<hbm>>
          %dma_start3A_84 = tpu.memref_slice %arg2[%mul3A_82] : memref<12800000xi32, #tpu.memory_space<hbm>> -> memref<4096xi32, #tpu.memory_space<hbm>>
          tpu.enqueue_dma source(%dma_start3A_84 : memref<4096xi32, #tpu.memory_space<hbm>>) target(%arg7 : memref<4096xi32, #tpu.memory_space<vmem>>) target_semaphore(%arg9 : memref<!tpu.dma_semaphore, #tpu.memory_space<semaphore_mem>>)
        } else {
        }
        %add3A_60 = arith.constant 1 : i32
        %add3A_61 = arith.addi %mul3A_29, %add3A_60 : i32
        %mul3A_62 = arith.constant 32 : i32
        %mul3A_63 = arith.muli %add3A_61, %mul3A_62 : i32
        %add3A_64 = arith.addi %add3A, %mul3A_63 : i32
        %mul3A_65 = arith.constant 4096 : i32
        %mul3A_66 = arith.muli %add3A_64, %mul3A_65 : i32
        %dma_wait3A_67 = tpu.memref_slice %arg2[%mul3A_66] : memref<12800000xi32, #tpu.memory_space<hbm>> -> memref<4096xi32, #tpu.memory_space<hbm>>
        %dma_wait3A_68 = tpu.memref_slice %arg2[%mul3A_66] : memref<12800000xi32, #tpu.memory_space<hbm>> -> memref<4096xi32, #tpu.memory_space<hbm>>
        tpu.wait_dma2 semaphore(%arg10 : memref<!tpu.dma_semaphore, #tpu.memory_space<semaphore_mem>>) src(%dma_wait3A_68 : memref<4096xi32, #tpu.memory_space<hbm>>) dst(%arg8 : memref<4096xi32, #tpu.memory_space<vmem>>)
        %scan3A_69 = arith.constant 0 : i32
        %scan3A_70 = arith.constant 0 : i32
        %scan3A_71 = arith.constant 16 : i32
        %scan3A_72 = arith.addi %scan3A_70, %scan3A_71 : i32
        %scan3A_73 = arith.constant 1 : i32
        %scan3A_74 = scf.for %scan3A_76 = %scan3A_70 to %scan3A_72 step %scan3A_73 iter_args(%scan3A_77 = %scan3A_69) -> (i32)  : i32 {
          %mul3A_78 = arith.constant 256 : i32
          %mul3A_79 = arith.muli %scan3A_76, %mul3A_78 : i32
          %add3A_80 = arith.constant 0 : i32
          %add3A_81 = arith.addi %mul3A_79, %add3A_80 : i32
          %mul3A_82 = arith.constant 256 : i32
          %mul3A_83 = arith.muli %scan3A_76, %mul3A_82 : i32
          %add3A_84 = arith.constant 16 : i32
          %add3A_85 = arith.addi %mul3A_83, %add3A_84 : i32
          %mul3A_86 = arith.constant 256 : i32
          %mul3A_87 = arith.muli %scan3A_76, %mul3A_86 : i32
          %add3A_88 = arith.constant 32 : i32
          %add3A_89 = arith.addi %mul3A_87, %add3A_88 : i32
          %mul3A_90 = arith.constant 256 : i32
          %mul3A_91 = arith.muli %scan3A_76, %mul3A_90 : i32
          %add3A_92 = arith.constant 48 : i32
          %add3A_93 = arith.addi %mul3A_91, %add3A_92 : i32
          %mul3A_94 = arith.constant 256 : i32
          %mul3A_95 = arith.muli %scan3A_76, %mul3A_94 : i32
          %add3A_96 = arith.constant 64 : i32
          %add3A_97 = arith.addi %mul3A_95, %add3A_96 : i32
          %mul3A_98 = arith.constant 256 : i32
          %mul3A_99 = arith.muli %scan3A_76, %mul3A_98 : i32
          %add3A_100 = arith.constant 80 : i32
          %add3A_101 = arith.addi %mul3A_99, %add3A_100 : i32
          %mul3A_102 = arith.constant 256 : i32
          %mul3A_103 = arith.muli %scan3A_76, %mul3A_102 : i32
          %add3A_104 = arith.constant 96 : i32
          %add3A_105 = arith.addi %mul3A_103, %add3A_104 : i32
          %mul3A_106 = arith.constant 256 : i32
          %mul3A_107 = arith.muli %scan3A_76, %mul3A_106 : i32
          %add3A_108 = arith.constant 112 : i32
          %add3A_109 = arith.addi %mul3A_107, %add3A_108 : i32
          %add3A_110 = arith.constant 128 : i32
          %add3A_111 = arith.addi %add3A_81, %add3A_110 : i32
          %get3A = arith.index_cast %add3A_111 : i32 to index
          %get3A_112 = tpu.vector_load %arg8[%get3A] {strides = array<i32>} : memref<4096xi32, #tpu.memory_space<vmem>>, vector<16xi32>,
          %add3A_113 = arith.constant 128 : i32
          %add3A_114 = arith.addi %add3A_85, %add3A_113 : i32
          %get3A_115 = arith.index_cast %add3A_114 : i32 to index
          %get3A_116 = tpu.vector_load %arg8[%get3A_115] {strides = array<i32>} : memref<4096xi32, #tpu.memory_space<vmem>>, vector<16xi32>,
          %add3A_117 = arith.constant 128 : i32
          %add3A_118 = arith.addi %add3A_89, %add3A_117 : i32
          %get3A_119 = arith.index_cast %add3A_118 : i32 to index
          %get3A_120 = tpu.vector_load %arg8[%get3A_119] {strides = array<i32>} : memref<4096xi32, #tpu.memory_space<vmem>>, vector<16xi32>,
          %add3A_121 = arith.constant 128 : i32
          %add3A_122 = arith.addi %add3A_93, %add3A_121 : i32
          %get3A_123 = arith.index_cast %add3A_122 : i32 to index
          %get3A_124 = tpu.vector_load %arg8[%get3A_123] {strides = array<i32>} : memref<4096xi32, #tpu.memory_space<vmem>>, vector<16xi32>,
          %add3A_125 = arith.constant 128 : i32
          %add3A_126 = arith.addi %add3A_97, %add3A_125 : i32
          %get3A_127 = arith.index_cast %add3A_126 : i32 to index
          %get3A_128 = tpu.vector_load %arg8[%get3A_127] {strides = array<i32>} : memref<4096xi32, #tpu.memory_space<vmem>>, vector<16xi32>,
          %add3A_129 = arith.constant 128 : i32
          %add3A_130 = arith.addi %add3A_101, %add3A_129 : i32
          %get3A_131 = arith.index_cast %add3A_130 : i32 to index
          %get3A_132 = tpu.vector_load %arg8[%get3A_131] {strides = array<i32>} : memref<4096xi32, #tpu.memory_space<vmem>>, vector<16xi32>,
          %add3A_133 = arith.constant 128 : i32
          %add3A_134 = arith.addi %add3A_105, %add3A_133 : i32
          %get3A_135 = arith.index_cast %add3A_134 : i32 to index
          %get3A_136 = tpu.vector_load %arg8[%get3A_135] {strides = array<i32>} : memref<4096xi32, #tpu.memory_space<vmem>>, vector<16xi32>,
          %add3A_137 = arith.constant 128 : i32
          %add3A_138 = arith.addi %add3A_109, %add3A_137 : i32
          %get3A_139 = arith.index_cast %add3A_138 : i32 to index
          %get3A_140 = tpu.vector_load %arg8[%get3A_139] {strides = array<i32>} : memref<4096xi32, #tpu.memory_space<vmem>>, vector<16xi32>,
          %get3A_141 = arith.index_cast %add3A_81 : i32 to index
          %get3A_142 = tpu.vector_load %arg8[%get3A_141] {strides = array<i32>} : memref<4096xi32, #tpu.memory_space<vmem>>, vector<16xi32>,
          %get3A_143 = arith.index_cast %add3A_85 : i32 to index
          %get3A_144 = tpu.vector_load %arg8[%get3A_143] {strides = array<i32>} : memref<4096xi32, #tpu.memory_space<vmem>>, vector<16xi32>,
          %get3A_145 = arith.index_cast %add3A_89 : i32 to index
          %get3A_146 = tpu.vector_load %arg8[%get3A_145] {strides = array<i32>} : memref<4096xi32, #tpu.memory_space<vmem>>, vector<16xi32>,
          %get3A_147 = arith.index_cast %add3A_93 : i32 to index
          %get3A_148 = tpu.vector_load %arg8[%get3A_147] {strides = array<i32>} : memref<4096xi32, #tpu.memory_space<vmem>>, vector<16xi32>,
          %get3A_149 = arith.index_cast %add3A_97 : i32 to index
          %get3A_150 = tpu.vector_load %arg8[%get3A_149] {strides = array<i32>} : memref<4096xi32, #tpu.memory_space<vmem>>, vector<16xi32>,
          %get3A_151 = arith.index_cast %add3A_101 : i32 to index
          %get3A_152 = tpu.vector_load %arg8[%get3A_151] {strides = array<i32>} : memref<4096xi32, #tpu.memory_space<vmem>>, vector<16xi32>,
          %get3A_153 = arith.index_cast %add3A_105 : i32 to index
          %get3A_154 = tpu.vector_load %arg8[%get3A_153] {strides = array<i32>} : memref<4096xi32, #tpu.memory_space<vmem>>, vector<16xi32>,
          %get3A_155 = arith.index_cast %add3A_109 : i32 to index
          %get3A_156 = tpu.vector_load %arg8[%get3A_155] {strides = array<i32>} : memref<4096xi32, #tpu.memory_space<vmem>>, vector<16xi32>,
          %shift_right_arithmetic3A = arith.constant 5 : i32
          %shift_right_arithmetic3A_157 = vector.broadcast %shift_right_arithmetic3A : i32 to vector<16xi32>
          %shift_right_arithmetic3A_158 = arith.shrsi %get3A_112, %shift_right_arithmetic3A_157 : vector<16xi32>
          %gather3A = tpu.vector_load_idx %arg5[%shift_right_arithmetic3A_158] : memref<3200xi32, #tpu.memory_space<vmem>>[vector<16xi32>], vector<16xi32>,
          %shift_right_arithmetic3A_159 = arith.constant 5 : i32
          %shift_right_arithmetic3A_160 = vector.broadcast %shift_right_arithmetic3A_159 : i32 to vector<16xi32>
          %shift_right_arithmetic3A_161 = arith.shrsi %get3A_116, %shift_right_arithmetic3A_160 : vector<16xi32>
          %gather3A_162 = tpu.vector_load_idx %arg5[%shift_right_arithmetic3A_161] : memref<3200xi32, #tpu.memory_space<vmem>>[vector<16xi32>], vector<16xi32>,
          %shift_right_arithmetic3A_163 = arith.constant 5 : i32
          %shift_right_arithmetic3A_164 = vector.broadcast %shift_right_arithmetic3A_163 : i32 to vector<16xi32>
          %shift_right_arithmetic3A_165 = arith.shrsi %get3A_120, %shift_right_arithmetic3A_164 : vector<16xi32>
          %gather3A_166 = tpu.vector_load_idx %arg5[%shift_right_arithmetic3A_165] : memref<3200xi32, #tpu.memory_space<vmem>>[vector<16xi32>], vector<16xi32>,
          %shift_right_arithmetic3A_167 = arith.constant 5 : i32
          %shift_right_arithmetic3A_168 = vector.broadcast %shift_right_arithmetic3A_167 : i32 to vector<16xi32>
          %shift_right_arithmetic3A_169 = arith.shrsi %get3A_124, %shift_right_arithmetic3A_168 : vector<16xi32>
          %gather3A_170 = tpu.vector_load_idx %arg5[%shift_right_arithmetic3A_169] : memref<3200xi32, #tpu.memory_space<vmem>>[vector<16xi32>], vector<16xi32>,
          %shift_right_arithmetic3A_171 = arith.constant 5 : i32
          %shift_right_arithmetic3A_172 = vector.broadcast %shift_right_arithmetic3A_171 : i32 to vector<16xi32>
          %shift_right_arithmetic3A_173 = arith.shrsi %get3A_128, %shift_right_arithmetic3A_172 : vector<16xi32>
          %gather3A_174 = tpu.vector_load_idx %arg5[%shift_right_arithmetic3A_173] : memref<3200xi32, #tpu.memory_space<vmem>>[vector<16xi32>], vector<16xi32>,
          %shift_right_arithmetic3A_175 = arith.constant 5 : i32
          %shift_right_arithmetic3A_176 = vector.broadcast %shift_right_arithmetic3A_175 : i32 to vector<16xi32>
          %shift_right_arithmetic3A_177 = arith.shrsi %get3A_132, %shift_right_arithmetic3A_176 : vector<16xi32>
          %gather3A_178 = tpu.vector_load_idx %arg5[%shift_right_arithmetic3A_177] : memref<3200xi32, #tpu.memory_space<vmem>>[vector<16xi32>], vector<16xi32>,
          %shift_right_arithmetic3A_179 = arith.constant 5 : i32
          %shift_right_arithmetic3A_180 = vector.broadcast %shift_right_arithmetic3A_179 : i32 to vector<16xi32>
          %shift_right_arithmetic3A_181 = arith.shrsi %get3A_136, %shift_right_arithmetic3A_180 : vector<16xi32>
          %gather3A_182 = tpu.vector_load_idx %arg5[%shift_right_arithmetic3A_181] : memref<3200xi32, #tpu.memory_space<vmem>>[vector<16xi32>], vector<16xi32>,
          %shift_right_arithmetic3A_183 = arith.constant 5 : i32
          %shift_right_arithmetic3A_184 = vector.broadcast %shift_right_arithmetic3A_183 : i32 to vector<16xi32>
          %shift_right_arithmetic3A_185 = arith.shrsi %get3A_140, %shift_right_arithmetic3A_184 : vector<16xi32>
          %gather3A_186 = tpu.vector_load_idx %arg5[%shift_right_arithmetic3A_185] : memref<3200xi32, #tpu.memory_space<vmem>>[vector<16xi32>], vector<16xi32>,
          %and3A = arith.constant 31 : i32
          %and3A_187 = vector.broadcast %and3A : i32 to vector<16xi32>
          %and3A_188 = arith.andi %get3A_112, %and3A_187 : vector<16xi32>
          %shift_right_arithmetic3A_189 = arith.shrsi %gather3A, %and3A_188 : vector<16xi32>
          %and3A_190 = arith.constant 1 : i32
          %and3A_191 = vector.broadcast %and3A_190 : i32 to vector<16xi32>
          %and3A_192 = arith.andi %shift_right_arithmetic3A_189, %and3A_191 : vector<16xi32>
          %and3A_193 = arith.constant 31 : i32
          %and3A_194 = vector.broadcast %and3A_193 : i32 to vector<16xi32>
          %and3A_195 = arith.andi %get3A_116, %and3A_194 : vector<16xi32>
          %shift_right_arithmetic3A_196 = arith.shrsi %gather3A_162, %and3A_195 : vector<16xi32>
          %and3A_197 = arith.constant 1 : i32
          %and3A_198 = vector.broadcast %and3A_197 : i32 to vector<16xi32>
          %and3A_199 = arith.andi %shift_right_arithmetic3A_196, %and3A_198 : vector<16xi32>
          %and3A_200 = arith.constant 31 : i32
          %and3A_201 = vector.broadcast %and3A_200 : i32 to vector<16xi32>
          %and3A_202 = arith.andi %get3A_120, %and3A_201 : vector<16xi32>
          %shift_right_arithmetic3A_203 = arith.shrsi %gather3A_166, %and3A_202 : vector<16xi32>
          %and3A_204 = arith.constant 1 : i32
          %and3A_205 = vector.broadcast %and3A_204 : i32 to vector<16xi32>
          %and3A_206 = arith.andi %shift_right_arithmetic3A_203, %and3A_205 : vector<16xi32>
          %and3A_207 = arith.constant 31 : i32
          %and3A_208 = vector.broadcast %and3A_207 : i32 to vector<16xi32>
          %and3A_209 = arith.andi %get3A_124, %and3A_208 : vector<16xi32>
          %shift_right_arithmetic3A_210 = arith.shrsi %gather3A_170, %and3A_209 : vector<16xi32>
          %and3A_211 = arith.constant 1 : i32
          %and3A_212 = vector.broadcast %and3A_211 : i32 to vector<16xi32>
          %and3A_213 = arith.andi %shift_right_arithmetic3A_210, %and3A_212 : vector<16xi32>
          %and3A_214 = arith.constant 31 : i32
          %and3A_215 = vector.broadcast %and3A_214 : i32 to vector<16xi32>
          %and3A_216 = arith.andi %get3A_128, %and3A_215 : vector<16xi32>
          %shift_right_arithmetic3A_217 = arith.shrsi %gather3A_174, %and3A_216 : vector<16xi32>
          %and3A_218 = arith.constant 1 : i32
          %and3A_219 = vector.broadcast %and3A_218 : i32 to vector<16xi32>
          %and3A_220 = arith.andi %shift_right_arithmetic3A_217, %and3A_219 : vector<16xi32>
          %and3A_221 = arith.constant 31 : i32
          %and3A_222 = vector.broadcast %and3A_221 : i32 to vector<16xi32>
          %and3A_223 = arith.andi %get3A_132, %and3A_222 : vector<16xi32>
          %shift_right_arithmetic3A_224 = arith.shrsi %gather3A_178, %and3A_223 : vector<16xi32>
          %and3A_225 = arith.constant 1 : i32
          %and3A_226 = vector.broadcast %and3A_225 : i32 to vector<16xi32>
          %and3A_227 = arith.andi %shift_right_arithmetic3A_224, %and3A_226 : vector<16xi32>
          %and3A_228 = arith.constant 31 : i32
          %and3A_229 = vector.broadcast %and3A_228 : i32 to vector<16xi32>
          %and3A_230 = arith.andi %get3A_136, %and3A_229 : vector<16xi32>
          %shift_right_arithmetic3A_231 = arith.shrsi %gather3A_182, %and3A_230 : vector<16xi32>
          %and3A_232 = arith.constant 1 : i32
          %and3A_233 = vector.broadcast %and3A_232 : i32 to vector<16xi32>
          %and3A_234 = arith.andi %shift_right_arithmetic3A_231, %and3A_233 : vector<16xi32>
          %and3A_235 = arith.constant 31 : i32
          %and3A_236 = vector.broadcast %and3A_235 : i32 to vector<16xi32>
          %and3A_237 = arith.andi %get3A_140, %and3A_236 : vector<16xi32>
          %shift_right_arithmetic3A_238 = arith.shrsi %gather3A_186, %and3A_237 : vector<16xi32>
          %and3A_239 = arith.constant 1 : i32
          %and3A_240 = vector.broadcast %and3A_239 : i32 to vector<16xi32>
          %and3A_241 = arith.andi %shift_right_arithmetic3A_238, %and3A_240 : vector<16xi32>
          tpu.vector_store_idx %arg6[%get3A_142], %and3A_192 {add = true} : memref<100352xi32, #tpu.memory_space<vmem>>[vector<16xi32>], vector<16xi32>,
          tpu.vector_store_idx %arg6[%get3A_144], %and3A_199 {add = true} : memref<100352xi32, #tpu.memory_space<vmem>>[vector<16xi32>], vector<16xi32>,
          tpu.vector_store_idx %arg6[%get3A_146], %and3A_206 {add = true} : memref<100352xi32, #tpu.memory_space<vmem>>[vector<16xi32>], vector<16xi32>,
          tpu.vector_store_idx %arg6[%get3A_148], %and3A_213 {add = true} : memref<100352xi32, #tpu.memory_space<vmem>>[vector<16xi32>], vector<16xi32>,
          tpu.vector_store_idx %arg6[%get3A_150], %and3A_220 {add = true} : memref<100352xi32, #tpu.memory_space<vmem>>[vector<16xi32>], vector<16xi32>,
          tpu.vector_store_idx %arg6[%get3A_152], %and3A_227 {add = true} : memref<100352xi32, #tpu.memory_space<vmem>>[vector<16xi32>], vector<16xi32>,
          tpu.vector_store_idx %arg6[%get3A_154], %and3A_234 {add = true} : memref<100352xi32, #tpu.memory_space<vmem>>[vector<16xi32>], vector<16xi32>,
          tpu.vector_store_idx %arg6[%get3A_156], %and3A_241 {add = true} : memref<100352xi32, #tpu.memory_space<vmem>>[vector<16xi32>], vector<16xi32>,
          %scan3A_242 = arith.constant 0 : i32
          scf.yield %scan3A_242 : i32
        }
        %scan3A_75 = arith.constant 16 : i32
      } else {
      }
      %scan3A_53 = arith.constant 0 : i32
      scf.yield %scan3A_53 : i32
    }
    %scan3A_23 = arith.constant 49 : i32
    %mul3A_24 = arith.constant 100352 : i32
    %mul3A_25 = arith.muli %add3A, %mul3A_24 : i32
    "tpu.region"() ({
      %run_scoped3A = tpu.sem_alloc : memref<!tpu.dma_semaphore, #tpu.memory_space<semaphore_mem>>
      %dma_start3A_26 = tpu.memref_slice %arg4[%mul3A_25] : memref<3211264xi32, #tpu.memory_space<hbm>> -> memref<100352xi32, #tpu.memory_space<hbm>>
      %dma_start3A_27 = tpu.memref_slice %arg4[%mul3A_25] : memref<3211264xi32, #tpu.memory_space<hbm>> -> memref<100352xi32, #tpu.memory_space<hbm>>
      tpu.enqueue_dma source(%arg6 : memref<100352xi32, #tpu.memory_space<vmem>>) target(%dma_start3A_27 : memref<100352xi32, #tpu.memory_space<hbm>>) target_semaphore(%run_scoped3A : memref<!tpu.dma_semaphore, #tpu.memory_space<semaphore_mem>>)
      %dma_wait3A = tpu.memref_slice %arg4[%mul3A_25] : memref<3211264xi32, #tpu.memory_space<hbm>> -> memref<100352xi32, #tpu.memory_space<hbm>>
      %dma_wait3A_28 = tpu.memref_slice %arg4[%mul3A_25] : memref<3211264xi32, #tpu.memory_space<hbm>> -> memref<100352xi32, #tpu.memory_space<hbm>>
      tpu.wait_dma2 semaphore(%run_scoped3A : memref<!tpu.dma_semaphore, #tpu.memory_space<semaphore_mem>>) src(%arg6 : memref<100352xi32, #tpu.memory_space<vmem>>) dst(%dma_wait3A_28 : memref<100352xi32, #tpu.memory_space<hbm>>)
      tpu.yield
    }) : () -> ()
    return
  }
}

module attributes {stable_mosaic.version = 14 : i64} {
  func.func @_tc_epilogue(%arg0: memref<784x128xf32, #tpu.memory_space<vmem>>, %arg1: memref<784x128xf32, #tpu.memory_space<vmem>>, %arg2: memref<32x784x128xi32, #tpu.memory_space<vmem>>, %arg3: memref<1x64xf32, #tpu.memory_space<vmem>>, %arg4: memref<1x64xi32, #tpu.memory_space<vmem>>, %arg5: memref<784x128xf32, #tpu.memory_space<vmem>>, %arg6: memref<98x128xf32, #tpu.memory_space<vmem>>) attributes {dimension_semantics = [], scalar_prefetch = 0 : i64, scratch_operands = 2 : i64, tpu.core_type = #tpu.core_type<tc>} {
    %iota3A = tpu.iota {dimensions = array<i32: 0>} : vector<784x128xi32>
    %mul3A = arith.constant 128 : i32
    %mul3A_0 = vector.broadcast %mul3A : i32 to vector<784x128xi32>
    %mul3A_1 = arith.muli %iota3A, %mul3A_0 : vector<784x128xi32>
    %iota3A_2 = tpu.iota {dimensions = array<i32: 1>} : vector<784x128xi32>
    %add3A = arith.addi %mul3A_1, %iota3A_2 : vector<784x128xi32>
    %lt3A = arith.constant 100000 : i32
    %lt3A_3 = vector.broadcast %lt3A : i32 to vector<784x128xi32>
    %lt3A_4 = arith.cmpi slt, %add3A, %lt3A_3 : vector<784x128xi32>
    %get3A = arith.constant 0 : index
    %get3A_5 = arith.constant 0 : index
    %get3A_6 = arith.constant 0 : index
    %get3A_7 = vector.load %arg2[%get3A, %get3A_5, %get3A_6] : memref<32x784x128xi32, #tpu.memory_space<vmem>>, vector<32x784x128xi32>
    %reduce_sum3A = arith.constant dense<0> : vector<784x128xi32>
    %reduce_sum3A_8 = vector.multi_reduction <add>, %get3A_7, %reduce_sum3A [0] : vector<32x784x128xi32> to vector<784x128xi32>
    %convert_element_type3A = arith.sitofp %reduce_sum3A_8 : vector<784x128xi32> to vector<784x128xf32>
    %get3A_9 = arith.constant 0 : index
    %get3A_10 = arith.constant 0 : index
    %get3A_11 = vector.load %arg0[%get3A_9, %get3A_10] : memref<784x128xf32, #tpu.memory_space<vmem>>, vector<784x128xf32>
    %jit3A = arith.constant 3.000000e+38 : f32
    %broadcast_in_dim3A = vector.broadcast %jit3A : f32 to vector<784x128xf32>
    %select_n3A = arith.select %lt3A_4, %get3A_11, %broadcast_in_dim3A : vector<784x128xi1>, vector<784x128xf32>
    %reduce_min3A = vector.shape_cast %select_n3A : vector<784x128xf32> to vector<1x784x128xf32>
    %reduce_min3A_12 = arith.constant dense<0x7F800000> : vector<1xf32>
    %reduce_min3A_13 = vector.multi_reduction <minimumf>, %reduce_min3A, %reduce_min3A_12 [1, 2] : vector<1x784x128xf32> to vector<1xf32>
    %reduce_min3A_14 = vector.shape_cast %reduce_min3A_13 : vector<1xf32> to vector<1x1x1xf32>
    %reduce_min3A_15 = vector.extract %reduce_min3A_14[0, 0, 0] : f32 from vector<1x1x1xf32>
    %neg3A = arith.constant 0.000000e+00 : f32
    %neg3A_16 = arith.constant 3.000000e+38 : f32
    %neg3A_17 = arith.subf %neg3A, %neg3A_16 : f32
    %broadcast_in_dim3A_18 = vector.broadcast %neg3A_17 : f32 to vector<784x128xf32>
    %select_n3A_19 = arith.select %lt3A_4, %get3A_11, %broadcast_in_dim3A_18 : vector<784x128xi1>, vector<784x128xf32>
    %reduce_max3A = vector.shape_cast %select_n3A_19 : vector<784x128xf32> to vector<1x784x128xf32>
    %reduce_max3A_20 = arith.constant dense<0xFF800000> : vector<1xf32>
    %reduce_max3A_21 = vector.multi_reduction <maximumf>, %reduce_max3A, %reduce_max3A_20 [1, 2] : vector<1x784x128xf32> to vector<1xf32>
    %reduce_max3A_22 = vector.shape_cast %reduce_max3A_21 : vector<1xf32> to vector<1x1x1xf32>
    %reduce_max3A_23 = vector.extract %reduce_max3A_22[0, 0, 0] : f32 from vector<1x1x1xf32>
    %sub3A = vector.broadcast %reduce_min3A_15 : f32 to vector<784x128xf32>
    %sub3A_24 = arith.subf %get3A_11, %sub3A : vector<784x128xf32>
    %sub3A_25 = arith.subf %reduce_max3A_23, %reduce_min3A_15 : f32
    %div3A = vector.broadcast %sub3A_25 : f32 to vector<784x128xf32>
    %div3A_26 = arith.divf %sub3A_24, %div3A : vector<784x128xf32>
    %add3A_27 = arith.constant 9.99999974E-6 : f32
    %add3A_28 = vector.broadcast %add3A_27 : f32 to vector<784x128xf32>
    %add3A_29 = arith.addf %convert_element_type3A, %add3A_28 : vector<784x128xf32>
    %log3A = math.log %add3A_29 : vector<784x128xf32>
    %jit3A_30 = arith.constant 3.000000e+38 : f32
    %broadcast_in_dim3A_31 = vector.broadcast %jit3A_30 : f32 to vector<784x128xf32>
    %select_n3A_32 = arith.select %lt3A_4, %log3A, %broadcast_in_dim3A_31 : vector<784x128xi1>, vector<784x128xf32>
    %reduce_min3A_33 = vector.shape_cast %select_n3A_32 : vector<784x128xf32> to vector<1x784x128xf32>
    %reduce_min3A_34 = arith.constant dense<0x7F800000> : vector<1xf32>
    %reduce_min3A_35 = vector.multi_reduction <minimumf>, %reduce_min3A_33, %reduce_min3A_34 [1, 2] : vector<1x784x128xf32> to vector<1xf32>
    %reduce_min3A_36 = vector.shape_cast %reduce_min3A_35 : vector<1xf32> to vector<1x1x1xf32>
    %reduce_min3A_37 = vector.extract %reduce_min3A_36[0, 0, 0] : f32 from vector<1x1x1xf32>
    %neg3A_38 = arith.constant 0.000000e+00 : f32
    %neg3A_39 = arith.constant 3.000000e+38 : f32
    %neg3A_40 = arith.subf %neg3A_38, %neg3A_39 : f32
    %broadcast_in_dim3A_41 = vector.broadcast %neg3A_40 : f32 to vector<784x128xf32>
    %select_n3A_42 = arith.select %lt3A_4, %log3A, %broadcast_in_dim3A_41 : vector<784x128xi1>, vector<784x128xf32>
    %reduce_max3A_43 = vector.shape_cast %select_n3A_42 : vector<784x128xf32> to vector<1x784x128xf32>
    %reduce_max3A_44 = arith.constant dense<0xFF800000> : vector<1xf32>
    %reduce_max3A_45 = vector.multi_reduction <maximumf>, %reduce_max3A_43, %reduce_max3A_44 [1, 2] : vector<1x784x128xf32> to vector<1xf32>
    %reduce_max3A_46 = vector.shape_cast %reduce_max3A_45 : vector<1xf32> to vector<1x1x1xf32>
    %reduce_max3A_47 = vector.extract %reduce_max3A_46[0, 0, 0] : f32 from vector<1x1x1xf32>
    %sub3A_48 = vector.broadcast %reduce_min3A_37 : f32 to vector<784x128xf32>
    %sub3A_49 = arith.subf %log3A, %sub3A_48 : vector<784x128xf32>
    %sub3A_50 = arith.subf %reduce_max3A_47, %reduce_min3A_37 : f32
    %div3A_51 = vector.broadcast %sub3A_50 : f32 to vector<784x128xf32>
    %div3A_52 = arith.divf %sub3A_49, %div3A_51 : vector<784x128xf32>
    %mul3A_53 = arith.constant 6.000000e-01 : f32
    %mul3A_54 = vector.broadcast %mul3A_53 : f32 to vector<784x128xf32>
    %mul3A_55 = arith.mulf %mul3A_54, %div3A_26 : vector<784x128xf32>
    %mul3A_56 = arith.constant 4.000000e-01 : f32
    %mul3A_57 = vector.broadcast %mul3A_56 : f32 to vector<784x128xf32>
    %mul3A_58 = arith.mulf %mul3A_57, %div3A_52 : vector<784x128xf32>
    %add3A_59 = arith.addf %mul3A_55, %mul3A_58 : vector<784x128xf32>
    %get3A_60 = arith.constant 0 : index
    %get3A_61 = arith.constant 0 : index
    %get3A_62 = vector.load %arg1[%get3A_60, %get3A_61] : memref<784x128xf32, #tpu.memory_space<vmem>>, vector<784x128xf32>
    %mul3A_63 = arith.mulf %add3A_59, %get3A_62 : vector<784x128xf32>
    %neg3A_64 = arith.constant 0.000000e+00 : f32
    %neg3A_65 = arith.constant 3.000000e+38 : f32
    %neg3A_66 = arith.subf %neg3A_64, %neg3A_65 : f32
    %broadcast_in_dim3A_67 = vector.broadcast %neg3A_66 : f32 to vector<784x128xf32>
    %select_n3A_68 = arith.select %lt3A_4, %mul3A_63, %broadcast_in_dim3A_67 : vector<784x128xi1>, vector<784x128xf32>
    %swap3A = arith.constant 0 : index
    %swap3A_69 = arith.constant 0 : index
    %swap3A_70 = vector.load %arg5[%swap3A, %swap3A_69] : memref<784x128xf32, #tpu.memory_space<vmem>>, vector<784x128xf32>
    tpu.vector_store %arg5[%swap3A, %swap3A_69], %select_n3A_68 {strides = array<i32>} : memref<784x128xf32, #tpu.memory_space<vmem>>, vector<784x128xf32>,
    %scan3A = arith.constant 0 : i32
    %scan3A_71 = arith.constant 98 : i32
    %scan3A_72 = arith.addi %scan3A, %scan3A_71 : i32
    %scan3A_73 = arith.constant 1 : i32
    scf.for %scan3A_101 = %scan3A to %scan3A_72 step %scan3A_73  : i32 {
      %mul3A_102 = arith.constant 8 : i32
      %mul3A_103 = arith.muli %scan3A_101, %mul3A_102 : i32
      %get3A_104 = arith.index_cast %mul3A_103 : i32 to index
      %get3A_105 = arith.constant 0 : index
      %get3A_106 = vector.load %arg5[%get3A_104, %get3A_105] : memref<784x128xf32, #tpu.memory_space<vmem>>, vector<8x128xf32>
      %reduce_max3A_107 = arith.constant dense<0xFF800000> : vector<128xf32>
      %reduce_max3A_108 = vector.multi_reduction <maximumf>, %get3A_106, %reduce_max3A_107 [0] : vector<8x128xf32> to vector<128xf32>
      %broadcast_in_dim3A_109 = vector.shape_cast %reduce_max3A_108 : vector<128xf32> to vector<1x128xf32>
      %swap3A_110 = arith.index_cast %scan3A_101 : i32 to index
      %swap3A_111 = arith.constant 0 : index
      %swap3A_112 = vector.load %arg6[%swap3A_110, %swap3A_111] : memref<98x128xf32, #tpu.memory_space<vmem>>, vector<1x128xf32>
      tpu.vector_store %arg6[%swap3A_110, %swap3A_111], %broadcast_in_dim3A_109 {strides = array<i32>} : memref<98x128xf32, #tpu.memory_space<vmem>>, vector<1x128xf32>,
    }
    %scan3A_74 = arith.constant 98 : i32
    %iota3A_75 = tpu.iota {dimensions = array<i32: 1>} : vector<1x64xi32>
    %iota3A_76 = tpu.iota {dimensions = array<i32: 0>} : vector<98x128xi32>
    %iota3A_77 = tpu.iota {dimensions = array<i32: 0>} : vector<8x128xi32>
    %mul3A_78 = arith.constant 128 : i32
    %mul3A_79 = vector.broadcast %mul3A_78 : i32 to vector<8x128xi32>
    %mul3A_80 = arith.muli %iota3A_77, %mul3A_79 : vector<8x128xi32>
    %iota3A_81 = tpu.iota {dimensions = array<i32: 1>} : vector<8x128xi32>
    %add3A_82 = arith.addi %mul3A_80, %iota3A_81 : vector<8x128xi32>
    %broadcast_in_dim3A_83 = arith.constant 0.000000e+00 : f32
    %broadcast_in_dim3A_84 = vector.broadcast %broadcast_in_dim3A_83 : f32 to vector<1x64xf32>
    %broadcast_in_dim3A_85 = arith.constant 0 : i32
    %broadcast_in_dim3A_86 = vector.broadcast %broadcast_in_dim3A_85 : i32 to vector<1x64xi32>
    %scan3A_87 = arith.constant 2147483647 : i32
    %scan3A_88 = arith.constant 3.000000e+38 : f32
    %scan3A_89 = arith.constant 0 : i32
    %scan3A_90 = arith.constant 64 : i32
    %scan3A_91 = arith.addi %scan3A_89, %scan3A_90 : i32
    %scan3A_92 = arith.constant 1 : i32
    %scan3A_93:2 = scf.for %scan3A_101 = %scan3A_89 to %scan3A_91 step %scan3A_92 iter_args(%scan3A_102 = %broadcast_in_dim3A_84, %scan3A_103 = %broadcast_in_dim3A_86) -> (vector<1x64xf32>, vector<1x64xi32>)  : i32 {
      %get3A_104 = arith.constant 0 : index
      %get3A_105 = arith.constant 0 : index
      %get3A_106 = vector.load %arg6[%get3A_104, %get3A_105] : memref<98x128xf32, #tpu.memory_space<vmem>>, vector<98x128xf32>
      %reduce_max3A_107 = vector.shape_cast %get3A_106 : vector<98x128xf32> to vector<1x98x128xf32>
      %reduce_max3A_108 = arith.constant dense<0xFF800000> : vector<1xf32>
      %reduce_max3A_109 = vector.multi_reduction <maximumf>, %reduce_max3A_107, %reduce_max3A_108 [1, 2] : vector<1x98x128xf32> to vector<1xf32>
      %reduce_max3A_110 = vector.shape_cast %reduce_max3A_109 : vector<1xf32> to vector<1x1x1xf32>
      %reduce_max3A_111 = vector.extract %reduce_max3A_110[0, 0, 0] : f32 from vector<1x1x1xf32>
      %eq3A = vector.broadcast %reduce_max3A_111 : f32 to vector<98x128xf32>
      %eq3A_112 = arith.cmpf oeq, %get3A_106, %eq3A : vector<98x128xf32>
      %jit3A_113 = arith.constant 98 : i32
      %broadcast_in_dim3A_114 = vector.broadcast %jit3A_113 : i32 to vector<98x128xi32>
      %select_n3A_115 = arith.select %eq3A_112, %iota3A_76, %broadcast_in_dim3A_114 : vector<98x128xi1>, vector<98x128xi32>
      %reduce_min3A_116 = vector.shape_cast %select_n3A_115 : vector<98x128xi32> to vector<1x98x128xi32>
      %reduce_min3A_117 = arith.constant dense<2147483647> : vector<1xi32>
      %reduce_min3A_118 = vector.multi_reduction <minsi>, %reduce_min3A_116, %reduce_min3A_117 [1, 2] : vector<1x98x128xi32> to vector<1xi32>
      %reduce_min3A_119 = vector.shape_cast %reduce_min3A_118 : vector<1xi32> to vector<1x1x1xi32>
      %reduce_min3A_120 = vector.extract %reduce_min3A_119[0, 0, 0] : i32 from vector<1x1x1xi32>
      %mul3A_121 = arith.constant 8 : i32
      %mul3A_122 = arith.muli %reduce_min3A_120, %mul3A_121 : i32
      %get3A_123 = arith.index_cast %mul3A_122 : i32 to index
      %get3A_124 = arith.constant 0 : index
      %get3A_125 = vector.load %arg5[%get3A_123, %get3A_124] : memref<784x128xf32, #tpu.memory_space<vmem>>, vector<8x128xf32>
      %mul3A_126 = arith.constant 1024 : i32
      %mul3A_127 = arith.muli %reduce_min3A_120, %mul3A_126 : i32
      %add3A_128 = vector.broadcast %mul3A_127 : i32 to vector<8x128xi32>
      %add3A_129 = arith.addi %add3A_128, %add3A_82 : vector<8x128xi32>
      %eq3A_130 = vector.broadcast %reduce_max3A_111 : f32 to vector<8x128xf32>
      %eq3A_131 = arith.cmpf oeq, %get3A_125, %eq3A_130 : vector<8x128xf32>
      %broadcast_in_dim3A_132 = vector.broadcast %scan3A_87 : i32 to vector<8x128xi32>
      %select_n3A_133 = arith.select %eq3A_131, %add3A_129, %broadcast_in_dim3A_132 : vector<8x128xi1>, vector<8x128xi32>
      %reduce_min3A_134 = vector.shape_cast %select_n3A_133 : vector<8x128xi32> to vector<1x8x128xi32>
      %reduce_min3A_135 = arith.constant dense<2147483647> : vector<1xi32>
      %reduce_min3A_136 = vector.multi_reduction <minsi>, %reduce_min3A_134, %reduce_min3A_135 [1, 2] : vector<1x8x128xi32> to vector<1xi32>
      %reduce_min3A_137 = vector.shape_cast %reduce_min3A_136 : vector<1xi32> to vector<1x1x1xi32>
      %reduce_min3A_138 = vector.extract %reduce_min3A_137[0, 0, 0] : i32 from vector<1x1x1xi32>
      %eq3A_139 = vector.broadcast %scan3A_101 : i32 to vector<1x64xi32>
      %eq3A_140 = arith.cmpi eq, %iota3A_75, %eq3A_139 : vector<1x64xi32>
      %broadcast_in_dim3A_141 = vector.broadcast %reduce_max3A_111 : f32 to vector<1x64xf32>
      %select_n3A_142 = arith.select %eq3A_140, %broadcast_in_dim3A_141, %scan3A_102 : vector<1x64xi1>, vector<1x64xf32>
      %eq3A_143 = vector.broadcast %scan3A_101 : i32 to vector<1x64xi32>
      %eq3A_144 = arith.cmpi eq, %iota3A_75, %eq3A_143 : vector<1x64xi32>
      %broadcast_in_dim3A_145 = vector.broadcast %reduce_min3A_138 : i32 to vector<1x64xi32>
      %select_n3A_146 = arith.select %eq3A_144, %broadcast_in_dim3A_145, %scan3A_103 : vector<1x64xi1>, vector<1x64xi32>
      %eq3A_147 = vector.broadcast %reduce_min3A_138 : i32 to vector<8x128xi32>
      %eq3A_148 = arith.cmpi eq, %add3A_129, %eq3A_147 : vector<8x128xi32>
      %neg3A_149 = arith.constant 0.000000e+00 : f32
      %neg3A_150 = arith.subf %neg3A_149, %scan3A_88 : f32
      %broadcast_in_dim3A_151 = vector.broadcast %neg3A_150 : f32 to vector<8x128xf32>
      %select_n3A_152 = arith.select %eq3A_148, %broadcast_in_dim3A_151, %get3A_125 : vector<8x128xi1>, vector<8x128xf32>
      %mul3A_153 = arith.constant 8 : i32
      %mul3A_154 = arith.muli %reduce_min3A_120, %mul3A_153 : i32
      %swap3A_155 = arith.index_cast %mul3A_154 : i32 to index
      %swap3A_156 = arith.constant 0 : index
      %swap3A_157 = vector.load %arg5[%swap3A_155, %swap3A_156] : memref<784x128xf32, #tpu.memory_space<vmem>>, vector<8x128xf32>
      tpu.vector_store %arg5[%swap3A_155, %swap3A_156], %select_n3A_152 {strides = array<i32>} : memref<784x128xf32, #tpu.memory_space<vmem>>, vector<8x128xf32>,
      %reduce_max3A_158 = arith.constant dense<0xFF800000> : vector<128xf32>
      %reduce_max3A_159 = vector.multi_reduction <maximumf>, %select_n3A_152, %reduce_max3A_158 [0] : vector<8x128xf32> to vector<128xf32>
      %broadcast_in_dim3A_160 = vector.shape_cast %reduce_max3A_159 : vector<128xf32> to vector<1x128xf32>
      %swap3A_161 = arith.index_cast %reduce_min3A_120 : i32 to index
      %swap3A_162 = arith.constant 0 : index
      %swap3A_163 = vector.load %arg6[%swap3A_161, %swap3A_162] : memref<98x128xf32, #tpu.memory_space<vmem>>, vector<1x128xf32>
      tpu.vector_store %arg6[%swap3A_161, %swap3A_162], %broadcast_in_dim3A_160 {strides = array<i32>} : memref<98x128xf32, #tpu.memory_space<vmem>>, vector<1x128xf32>,
      scf.yield %select_n3A_142, %select_n3A_146 : vector<1x64xf32>, vector<1x64xi32>
    }
    %scan3A_94 = arith.constant 64 : i32
    %swap3A_95 = arith.constant 0 : index
    %swap3A_96 = arith.constant 0 : index
    %swap3A_97 = vector.load %arg3[%swap3A_95, %swap3A_96] : memref<1x64xf32, #tpu.memory_space<vmem>>, vector<1x64xf32>
    tpu.vector_store %arg3[%swap3A_95, %swap3A_96], %scan3A_93#0 {strides = array<i32>} : memref<1x64xf32, #tpu.memory_space<vmem>>, vector<1x64xf32>,
    %swap3A_98 = arith.constant 0 : index
    %swap3A_99 = arith.constant 0 : index
    %swap3A_100 = vector.load %arg4[%swap3A_98, %swap3A_99] : memref<1x64xi32, #tpu.memory_space<vmem>>, vector<1x64xi32>
    tpu.vector_store %arg4[%swap3A_98, %swap3A_99], %scan3A_93#1 {strides = array<i32>} : memref<1x64xi32, #tpu.memory_space<vmem>>, vector<1x64xi32>,
    return
  }
}

</mosaic_0001>

<sc_bundles>
// kernel: kernel.4.cloned.1.call-start
scs
__scs_entry_jumppad:
0x0: {  	(pc) =	sbr.rel $0x88, $3  }
0x1: {  	(tag) =	ssettag $0x0;
	lr =	simm.s32 $0x1  }
0x2: {  	[smem:$0x3F9E] =	sst lr;
	_ =	strace $0xD0000000  }
0x3: {  	_ = 	snop  }
0x4: {  	_ = 	snop  }
0x5: {  	_ = 	snop  }
0x6: {  	_ = 	snop  }
0x7: {  	_ = 	snop  }
__scs_overlays_trampoline_lowered:
0x8: {  	[smem:$0x3FAD] =	sst s0  }
0x9: {  	[smem:$0x3FAE] =	sst s1  }
0xa: {  	[smem:$0x3FAF] =	sst s2  }
0xb: {  	[smem:$0x3FB0] =	sst s3  }
0xc: {  	[smem:$0x3FB1] =	sst s4  }
0xd: {  	[smem:$0x3FB2] =	sst s5  }
0xe: {  	[smem:$0x3FB3] =	sst s6  }
0xf: {  	[smem:$0x3FB4] =	sst s7  }
0x10: {  	[smem:$0x3FB5] =	sst s8  }
0x11: {  	[smem:$0x3FB6] =	sst s9;
	s0 =	simm.s32 @!p0 $0x0  }
0x12: {  	s1 =	sld [smem:$0x3F9C];
	s0 =	simm.s32 @p0 $0x1  }
0x13: {  	[smem:$0x3FB7] =	sst s0;
	s0 =	simm.s32 @!p1 $0x0  }
0x14: {  	s2 =	sld [smem:$0x3F9B];
	s0 =	simm.s32 @p1 $0x1  }
0x15: {  	[smem:$0x3FB8] =	sst s0;
	s0 =	simm.s32 @!p2 $0x0  }
0x16: {  	s3 =	sld [smem:$0x3FDB];
	s0 =	simm.s32 @p2 $0x1  }
0x17: {  	s4 =	simm.s32 $0x1BF5;
	[smem:$0x3FBA] =	sst s0  }
0x18: {  	s0 =	sld [smem:$0x3F9D];
	_ =	swait.ge [sflag:s4], $0x0  }
0x19: {  	s7 =	sld [smem:$0x3F9E]  }
0x1a: {  	s8 =	sadd.s32 $0xFFFFE003, lr  }
0x1b: {  	s9 =	sadd.s32 $0xFFFFFEF7, lr;
	s5 =	simm.s32 $0xFFFFFFFF;
	p2 =	slt.u32 s8, $0xFFFFF086  }
0x1c: {  	p1 =	slt.u32 s9, $0xF7A;
	s5 =	simm.s32 @!p2 $0x0  }
0x1d: {  	s5 =	simm.s32 @p1 $0x1;
	p0 =	seq.s32 s7, s2  }
0x1e: {  	s7 =	smul.u32 @!p0 $0xF7A, s2;
	p2 =	seq.s32 @!p0 s5, $0x0  }
0x1f: {  	s9 =	smul.u32 $0xF7A, s1;
	s8 =	simm.s32 @!p0 $0x1BF5;
	p2 =	por !p2, p0  }
0x20: {  	[sflag:s8] =	ssyncset.s32 @!p0 $0xFFFFF086;
	s6 =	sadd.s32 @!p0 s3, s7;
	s7 =	simm.s32 @!p0 $0x108  }
0x21: {  	s3 =	sadd.s32 s3, s9;
	s6 =	sadd.s32 @!p0 $0x88, s6;
	s7 =	simm.s32 @p2 $0x1082  }
0x22: {  	[simem:s7], [sflag:s8] =	dma.local @!p0 [hbm:s6], $0xF7A  }
0x23: {  	s9 =	sor.u32 $0xD0000000, s2;
	s6 =	simm.s32 $0x108;
	_ =	swait.ge @!p0 [sflag:s8], $0x0  }
0x24: {  	s3 =	sadd.s32 $0x88, s3;
	s6 =	simm.s32 @!p1 $0x1082;
	[sflag:s4] =	ssyncset.s32 $0xFFFFF086  }
0x25: {  	[simem:s6], [sflag:s4] =	dma.local [hbm:s3], $0xF7A  }
0x26: {  	[smem:$0x3F9E] =	sst s1;
	(tag) =	ssettag s2;
	_ =	strace s9  }
0x27: {  	s1 =	sld [smem:$0x3FAE]  }
0x28: {  	s2 =	sld [smem:$0x3FAF]  }
0x29: {  	s4 =	sld [smem:$0x3FB1]  }
0x2a: {  	p0 =	seq.s32 s5, $0x0;
	s5 =	sld [smem:$0x3FB2]  }
0x2b: {  	s6 =	sld [smem:$0x3FB3]  }
0x2c: {  	s7 =	sld [smem:$0x3FB4]  }
0x2d: {  	s3 =	simm.s32 $0x108;
	s8 =	sld [smem:$0x3FB5]  }
0x2e: {  	s3 =	simm.s32 @!p0 $0x1082;
	s9 =	sld [smem:$0x3FB6]  }
0x2f: {  	lr =	sadd.s32 s0, s3;
	s0 =	sld [smem:$0x3FAD]  }
0x30: {  	s3 =	sld [smem:$0x3FB0]  }
0x31: {  	[smem:$0x3FB9] =	sst s10  }
0x32: {  	s10 =	sld [smem:$0x3FB7];
	_ =	sdelay $0x3  }
0x33: {  	p0 =	seq.s32 s10, $0x1;
	s10 =	sld [smem:$0x3FB9];
	_ =	sdelay $0x3  }
0x34: {  	[smem:$0x3FB9] =	sst s10  }
0x35: {  	s10 =	sld [smem:$0x3FB8];
	_ =	sdelay $0x3  }
0x36: {  	p1 =	seq.s32 s10, $0x1;
	s10 =	sld [smem:$0x3FB9];
	_ =	sdelay $0x3  }
0x37: {  	[smem:$0x3FB9] =	sst s10  }
0x38: {  	s10 =	sld [smem:$0x3FBA]  }
0x39: {  	_ = 	snop;
	(pc) =	sbr.ind lr, $3  }
0x3a: {  	_ = 	snop  }
0x3b: {  	_ = 	snop  }
0x3c: {  	p2 =	seq.s32 s10, $0x1;
	s10 =	sld [smem:$0x3FB9]  }
0x3d: {  	_ =	shalt  }
0x3e: {  	_ =	shalt  }
0x3f: {  	_ =	shalt  }
0x40: {  	_ =	shalt  }
0x41: {  	_ =	shalt  }
0x42: {  	_ =	shalt  }
0x43: {  	_ =	shalt  }
0x44: {  	_ =	shalt  }
0x45: {  	_ =	shalt  }
0x46: {  	_ =	shalt  }
0x47: {  	_ =	shalt  }
0x48: {  	_ =	shalt  }
0x49: {  	_ =	shalt  }
0x4a: {  	_ =	shalt  }
0x4b: {  	_ =	shalt  }
0x4c: {  	_ =	shalt  }
0x4d: {  	_ =	shalt  }
0x4e: {  	_ =	shalt  }
0x4f: {  	_ =	shalt  }
0x50: {  	_ =	shalt  }
0x51: {  	_ =	shalt  }
0x52: {  	_ =	shalt  }
0x53: {  	_ =	shalt  }
0x54: {  	_ =	shalt  }
0x55: {  	_ =	shalt  }
0x56: {  	_ =	shalt  }
0x57: {  	_ =	shalt  }
0x58: {  	_ =	shalt  }
0x59: {  	_ =	shalt  }
0x5a: {  	_ =	shalt  }
0x5b: {  	_ =	shalt  }
0x5c: {  	_ =	shalt  }
0x5d: {  	_ =	shalt  }
0x5e: {  	_ =	shalt  }
0x5f: {  	_ =	shalt  }
0x60: {  	_ =	shalt  }
0x61: {  	_ =	shalt  }
0x62: {  	_ =	shalt  }
0x63: {  	_ =	shalt  }
0x64: {  	_ =	shalt  }
0x65: {  	_ =	shalt  }
0x66: {  	_ =	shalt  }
0x67: {  	_ =	shalt  }
0x68: {  	_ =	shalt  }
0x69: {  	_ =	shalt  }
0x6a: {  	_ =	shalt  }
0x6b: {  	_ =	shalt  }
0x6c: {  	_ =	shalt  }
0x6d: {  	_ =	shalt  }
0x6e: {  	_ =	shalt  }
0x6f: {  	_ =	shalt  }
0x70: {  	_ =	shalt  }
0x71: {  	_ =	shalt  }
0x72: {  	_ =	shalt  }
0x73: {  	_ =	shalt  }
0x74: {  	_ =	shalt  }
0x75: {  	_ =	shalt  }
0x76: {  	_ =	shalt  }
0x77: {  	_ =	shalt  }
0x78: {  	_ =	shalt  }
0x79: {  	_ =	shalt  }
0x7a: {  	_ =	shalt  }
0x7b: {  	_ =	shalt  }
0x7c: {  	_ =	shalt  }
0x7d: {  	_ =	shalt  }
0x7e: {  	_ =	shalt  }
0x7f: {  	_ =	shalt  }
0x80: {  	_ =	shalt  }
0x81: {  	_ =	shalt  }
0x82: {  	_ =	shalt  }
0x83: {  	_ =	shalt  }
0x84: {  	_ =	shalt  }
0x85: {  	_ =	shalt  }
0x86: {  	_ =	shalt  }
0x87: {  	_ =	shalt  }
.Lfunc_end0:
.L_simem_size_0:
called_computation_lowered:
.L_overlay_start_0:
0x88: {  	s2 =	sld [smem:$0x3FD9]  }
0x89: {  	s3 =	sld [smem:$0x3FFE];
	_ =	sdelay $0x1  }
0x8a: {  	s1 =	srdreg.scid  }
0x8b: {  	s0 =	sand.u32 $0x1, s1  }
0x8c: {  	s17 =	sshll.u32 s0, $0xA;
	s2 =	sadd.s32 s3, s2  }
0x8d: {  	s2 =	sadd.s32 s2, s17  }
0x8e: {  	[smem:$0x3FC5] =	sst s2  }
0x8f: {  	_ = 	snop  }
0x90: {  	s2 =	sld [smem:$0x3FC8];
	(tm) =	ssettm $0x1  }
0x91: {  	s18 =	sld [smem:$0x3FFB];
	_ =	sdelay $0x3  }
0x92: {  	_ =	strace s18  }
0x93: {  	s3 =	sld [smem:$0x3FFC];
	_ =	sdelay $0x3  }
0x94: {  	_ =	strace s3  }
0x95: {  	s3 =	sld [smem:$0x3FFD];
	_ =	sdelay $0x3  }
0x96: {  	_ =	strace s3  }
0x97: {  	_ =	strace $0x8FFFFFFF  }
0x98: {  	s19 =	sld [smem:$0x3FDB];
	_ =	sdelay $0x1  }
0x99: {  	s4 =	simm.s32 $_scs_section_size  }
0x9a: {  	s5 =	simm.s32 $_size__tile_overlayer_lowered;
	s6 =	simm.s32 $_tile_overlayer_lowered  }
0x9b: {  	s22 =	simm.s32 $0x1BFF;
	s21 =	sshll.u32 s6, $0x1;
	s3 =	sadd.s32 s4, s19  }
0x9c: {  	s7 =	simm.s32 $0x0;
	s20 =	sshll.u32 s5, $0x1;
	s5 =	sadd.s32 s21, s3  }
0x9d: {  	[timem:s7], [sflag:s22] =	dma.local [hbm:s5], s20  }
0x9e: {  	_ =	swait.ge [sflag:s22], s20  }
0x9f: {  	s4 =	ssub.s32 $0x0, s20;
	[sflag:s22] =	ssyncset.done $0x0  }
0xa0: {  	[sflag:s22] =	ssyncadd.s32 s4;
	_ =	sdelay $0x1  }
0xa1: {  	s23 =	simm.s32 $0x1B8B  }
0xa2: {  	_ =	swait.ge [sflag:s23], $0x1  }
0xa3: {  	[sflag:s23] =	ssyncset.done $0x0  }
0xa4: {  	s25 =	simm.s32 $0x1B8E;
	s24 =	sld [smem:$0x3FFE];
	[sflag:s23] =	ssyncadd.s32 $0xFFFFFFFF  }
0xa5: {  	s26 =	simm.s32 $execute0_lowered;
	[smem:$0x3FD2] =	sst s25  }
0xa6: {  	s5 =	sshll.u32 s26, $0x1;
	_ =	strace $0x80000046;
	[dreg:$0x1] =	wrdreg $0xFFFFFFFF  }
0xa7: {  	s28 =	simm.s32 $_size_execute0_lowered;
	s3 =	sadd.s32 s3, s5;
	[dreg:$0x0] =	wrdreg $0x0  }
0xa8: {  	s5 =	sshll.u32 s28, $0x1;
	[dreg:$0x2] =	wrdreg s3  }
0xa9: {  	[dreg:$0x3] =	wrdreg s5  }
0xaa: {  	[dreg:$0x4] =	wrdreg $0xC0  }
0xab: {  	_ =	task [dreg:s7], $0x5FFFF  }
0xac: {  	[dreg:$0x1] =	wrdreg $0xFFFFFFFF  }
0xad: {  	[dreg:$0x0] =	wrdreg $0x60  }
0xae: {  	[dreg:$0x2] =	wrdreg s2  }
0xaf: {  	[dreg:$0x3] =	wrdreg s24  }
0xb0: {  	[dreg:$0x4] =	wrdreg $0x9  }
0xb1: {  	_ =	task.clear_ibuf [dreg:s7], $0x5FFFF;
	_ =	strace $0x90000046  }
0xb2: {  	s29 =	simm.s32 $0x9;
	_ =	strace $0x80000048  }
0xb3: {  	_ =	swait.ge [sflag:s29], $0x1  }
0xb4: {  	[sflag:s29] =	ssyncadd.s32 $0xFFFFFFFF  }
0xb5: {  	_ =	strace $0x90000048  }
0xb6: {  	_ =	sfence  }
0xb7: {  	s30 =	sld [smem:$0x0];
	_ =	sdelay $0x2  }
0xb8: {  	s31 =	sshll.u32 s1, $0xD;
	s1 =	sshrl.u32 s1, $0x2  }
0xb9: {  	s3 =	sand.u32 $0x4000, s31;
	s1 =	sadd.s32 s1, s30  }
0xba: {  	s0 =	sor.u32 s3, s0;
	s1 =	sshll.u32 s1, $0x11  }
0xbb: {  	s0 =	sor.u32 s1, s0  }
0xbc: {  	s0 =	sadd.s32 $0x8F2B, s0  }
0xbd: {  	[sflag:s0] =	ssyncadd.remote.s32 $0x1  }
0xbe: {  	_ =	sfence.sel $0xFFFF  }
0xbf: {  	[dreg:$0x0] =	wrdreg $0xFFFFFFFF;
	(pc) =	sbr.abs _section_cstart, $3  }
0xc0: {  	[dreg:$0x1] =	wrdreg $0xFFFFFFFF  }
0xc1: {  	_ =	task.clear_ibuf [dreg:s7], $0x2FFFF;
	_ =	strace $0x9FFFFFFF  }
0xc2: {  	(tm) =	ssettm $0x7FFFFFFF  }
0xc3: {  	_ =	shalt  }
tec
execute0_lowered:
.L_overlay_start_1:
0x0: {  	(tag) =	ssettag $0x1  }
0x1: {  	s5 =	rddreg [dreg:$0x0];
	s1 =	srdreg.scid  }
0x2: {  	s0 =	stileid.u32;
	s4 =	rddreg [dreg:$0x1]  }
0x3: {  	s2 =	simm.s32 $0x0;
	s10 =	simm.s32 $0x1;
	s11 =	simm.s32 $0xC80  }
0x4: {  	s12 =	simm.s32 $0x2;
	s6 =	sand.u32 $0x1, s1;
	s3 =	sshll.u32 s0, $0x1  }
0x5: {  	s13 =	simm.s32 $0x0;
	[smem:$0x7FF] =	sst s2;
	s7 =	sor.u32 s6, s3  }
0x6: {  	s1 =	rddreg [dreg:$0x2];
	_ =	strace $0x80000047;
	s8 =	smul.u32 $0x3100, s7  }
.Ltmp0:
0x7: {  	s3 =	sadd.s32 $0x800, s4;
	s6 =	ssub.s32 $0x2, s6;
	(pc) =	sbr.rel .LBB2_1-.Ltmp0, $4  }
0x8: {  	s9 =	sshrl.u32 s6, $0x1;
	p0 =	slt.u32 s7, $0x15;
	s31 =	sshll.u32 s7, $0x9  }
0x9: {  	s9 =	ssub.s32 s6, s9;
	s5 =	sadd.s32 s5, s31;
	s8 =	sadd.s32 s8, s4  }
0xa: {  	s4 =	simm.s32 $0x62;
	s7 =	smax.u32 s9, $0x1;
	s9 =	simm.s32 $0x19480  }
0xb: {  	v0 =	vimm.s32 $0x0;
	s4 =	simm.s32 @!p0 $0x61;
	s6 =	sadd.s32 $0xA00, s8;
	s8 =	simm.s32 $0x3  }
.LBB2_11:
0xc: {  	s13 =	sadd.s32 $0x1, s13  }
0xd: {  	p0 =	sne.s32 s13, s7  }
.Ltmp1:
0xe: {  	_ = 	snop;
	(pc) =	sbr.rel @!p0 .LBB2_12-.Ltmp1, $4  }
0xf: {  	[hbm4b:s6+s2] =	stream.linear.scatter [tilespmem:s11], [sflag:$0x3], $0x18800, $0x38;
	[tilespmem:$0x1B480] =	vst v63  }
0x10: {  	_ =	swait.ge [sflag:s8], $0x18800  }
0x11: {  	[sflag:s8] =	ssyncset.done $0x0  }
0x12: {  	[sflag:s8] =	ssyncadd.s32 $0xFFFE7800  }
.LBB2_1:
0x13: {  	[tilespmem:s2], [sflag:$0x3] =	stream.linear.gather [hbm4b:s3+s2], $0xC80, $0x38;
	[tilespmem:$0x1B480] =	vst v63  }
0x14: {  	_ =	swait.ge [sflag:s8], $0xC80  }
0x15: {  	[sflag:s8] =	ssyncset.done $0x0  }
0x16: {  	s14 =	simm.s32 $0x0;
	s15 =	simm.s32 $0x400;
	[sflag:s8] =	ssyncadd.s32 $0xFFFFF380  }
.LBB2_2:
0x17: {  	p0 =	sne.s32 s15, $0x61C00;
	[tilespmem:s14+$0xD70] =	vst v0  }
0x18: {  	[tilespmem:s14+$0xC80] =	vst v0  }
0x19: {  	[tilespmem:s14+$0xC90] =	vst v0  }
0x1a: {  	[tilespmem:s14+$0xCA0] =	vst v0  }
0x1b: {  	[tilespmem:s14+$0xCB0] =	vst v0  }
0x1c: {  	[tilespmem:s14+$0xCC0] =	vst v0  }
0x1d: {  	[tilespmem:s14+$0xCD0] =	vst v0  }
0x1e: {  	[tilespmem:s14+$0xCE0] =	vst v0  }
0x1f: {  	[tilespmem:s14+$0xCF0] =	vst v0  }
0x20: {  	[tilespmem:s14+$0xD00] =	vst v0  }
0x21: {  	[tilespmem:s14+$0xD10] =	vst v0  }
.Ltmp2:
0x22: {  	[tilespmem:s14+$0xD20] =	vst v0;
	(pc) =	sbr.rel @p0 .LBB2_2-.Ltmp2, $4  }
0x23: {  	[tilespmem:s14+$0xD30] =	vst v0  }
0x24: {  	[tilespmem:s14+$0xD40] =	vst v0  }
0x25: {  	[tilespmem:s14+$0xD50] =	vst v0  }
0x26: {  	[tilespmem:s14+$0xD60] =	vst v0;
	s14 =	sshra.s32 s15, $0x2;
	s15 =	sadd.s32 $0x400, s15  }
0x27: {  	[tilespmem:s14+$0xD70] =	vst v0  }
0x28: {  	[tilespmem:s14+$0xC80] =	vst v0  }
0x29: {  	[tilespmem:s14+$0xC90] =	vst v0  }
0x2a: {  	[tilespmem:s14+$0xCA0] =	vst v0  }
0x2b: {  	[tilespmem:s14+$0xCB0] =	vst v0  }
0x2c: {  	[tilespmem:s14+$0xCC0] =	vst v0  }
0x2d: {  	[tilespmem:s14+$0xCD0] =	vst v0  }
0x2e: {  	[tilespmem:s14+$0xCE0] =	vst v0  }
0x2f: {  	[tilespmem:s14+$0xCF0] =	vst v0  }
0x30: {  	[tilespmem:s14+$0xD00] =	vst v0  }
0x31: {  	[tilespmem:s14+$0xD10] =	vst v0  }
0x32: {  	[tilespmem:s14+$0xD20] =	vst v0  }
.Ltmp3:
0x33: {  	[tilespmem:s14+$0xD30] =	vst v0;
	(pc) =	sbr.rel .LBB2_4-.Ltmp3, $4  }
0x34: {  	[tilespmem:s14+$0xD40] =	vst v0  }
0x35: {  	[tilespmem:s14+$0xD50] =	vst v0  }
0x36: {  	[tilespmem:s14+$0xD60] =	vst v0;
	s14 =	simm.s32 $0x0  }
0x37: {  	[tilespmem:s9], [sflag:$0x1] =	stream.linear.gather [hbm4b:s5+s14], $0x1000, $0x38;
	[tilespmem:$0x1B480] =	vst v63  }
.LBB2_10:
0x38: {  	s14 =	sadd.s32 $0x1, s14  }
0x39: {  	p0 =	sne.s32 s14, $0x31  }
.Ltmp4:
0x3a: {  	_ = 	snop;
	(pc) =	sbr.rel @!p0 .LBB2_11-.Ltmp4, $1  }
0x3b: {  	_ =	sdelay $0x3  }
.LBB2_4:
0x3c: {  	s15 =	sshllo.u32 s14, $0x1  }
0x3d: {  	p0 =	sge.u32 s15, s4  }
0x3e: {  	s15 =	sshll.u32 @!p0 s15, $0xE  }
0x3f: {  	s16 =	simm.s32 @!p0 $0x0;
	s17 =	simm.s32 @!p0 $0x1A480;
	s15 =	sadd.s32 @!p0 s15, s5  }
0x40: {  	[tilespmem:s17], [sflag:$0x2] =	stream.linear.gather @!p0 [hbm4b:s15+s16], $0x1000, $0x38;
	[tilespmem:$0x1B480] =	vst v63  }
0x41: {  	_ =	swait.ge [sflag:s10], $0x1000  }
0x42: {  	[sflag:s10] =	ssyncset.done $0x0  }
0x43: {  	s31 =	simm.s32 $0x0;
	[sflag:s10] =	ssyncadd.s32 $0xFFFFF000  }
0x44: {  	v2 =	vld [tilespmem:s31+$0x19520]  }
0x45: {  	v3 =	vld [tilespmem:s31+$0x19540]  }
0x46: {  	v4 =	vld [tilespmem:s31+$0x19550]  }
0x47: {  	v5 =	vld [tilespmem:s31+$0x19560]  }
0x48: {  	v6 =	vld [tilespmem:s31+$0x19570]  }
0x49: {  	v1 =	vld [tilespmem:s31+$0x19510]  }
0x4a: {  	v7 =	vld [tilespmem:s31+$0x19500]  }
0x4b: {  	v8 =	vld [tilespmem:s31+$0x19530]  }
0x4c: {  	v9 =	vld [tilespmem:s31+$0x19490]  }
0x4d: {  	v10 =	vld [tilespmem:s31+$0x19480]  }
0x4e: {  	v12 =	vld [tilespmem:s31+$0x194D0]  }
0x4f: {  	v13 =	vld [tilespmem:s31+$0x194C0];
	v11 =	vshra.s32 v5, $0x5  }
0x50: {  	v16 =	vld [tilespmem:s31+$0x194B0];
	v14 =	vshra.s32 v7, $0x5  }
0x51: {  	v18 =	vld [tilespmem:s31+$0x194A0];
	v15 =	vshra.s32 v1, $0x5  }
0x52: {  	v20 =	vld [tilespmem:s31+$0x194E0];
	v17 =	vshra.s32 v2, $0x5  }
0x53: {  	v19 =	vshra.s32 v8, $0x5;
	v60 =	vand.u32 $0x1F, v1;
	v1 =	vld [tilespmem:s31+$0x194F0]  }
0x54: {  	v21 =	vshra.s32 v3, $0x5;
	v11 =	vld.idx.msk [tilespmem:v11+s2+$0x0], $0xffff  }
0x55: {  	v22 =	vshra.s32 v4, $0x5;
	v14 =	vld.idx.msk [tilespmem:v14+s2+$0x0], $0xffff  }
0x56: {  	v23 =	vshra.s32 v6, $0x5;
	v15 =	vld.idx.msk [tilespmem:v15+s2+$0x0], $0xffff  }
0x57: {  	v17 =	vld.idx.msk [tilespmem:v17+s2+$0x0], $0xffff  }
0x58: {  	v19 =	vld.idx.msk [tilespmem:v19+s2+$0x0], $0xffff  }
0x59: {  	v7 =	vand.u32 $0x1F, v7;
	v21 =	vld.idx.msk [tilespmem:v21+s2+$0x0], $0xffff  }
0x5a: {  	v22 =	vld.idx.msk [tilespmem:v22+s2+$0x0], $0xffff;
	v7 =	vshrl.u32 v14, v7  }
0x5b: {  	v2 =	vand.u32 $0x1F, v2;
	v23 =	vld.idx.msk [tilespmem:v23+s2+$0x0], $0xffff;
	v14 =	vshrl.u32 v15, v60;
	v7 =	vand.u32 $0x1, v7  }
0x5c: {  	v8 =	vand.u32 $0x1F, v8;
	v2 =	vshrl.u32 v17, v2;
	v14 =	vand.u32 $0x1, v14;
	[tilespmem:v10+s11+$0x0] =	vst.idx.add.s32.msk $0xffff, v7  }
0x5d: {  	v3 =	vand.u32 $0x1F, v3;
	v61 =	vshrl.u32 v19, v8;
	v2 =	vand.u32 $0x1, v2;
	[tilespmem:v9+s11+$0x0] =	vst.idx.add.s32.msk $0xffff, v14  }
0x5e: {  	v4 =	vand.u32 $0x1F, v4;
	v3 =	vshrl.u32 v21, v3;
	v7 =	vand.u32 $0x1, v61;
	[tilespmem:v18+s11+$0x0] =	vst.idx.add.s32.msk $0xffff, v2  }
0x5f: {  	v4 =	vshrl.u32 v22, v4;
	v3 =	vand.u32 $0x1, v3;
	v2 =	vand.u32 $0x1F, v5;
	[tilespmem:v16+s11+$0x0] =	vst.idx.add.s32.msk $0xffff, v7  }
0x60: {  	v62 =	vand.u32 $0x1F, v6;
	v4 =	vand.u32 $0x1, v4;
	v2 =	vshrl.u32 v11, v2;
	[tilespmem:v13+s11+$0x0] =	vst.idx.add.s32.msk $0xffff, v3  }
0x61: {  	v3 =	vshrl.u32 v23, v62;
	v63 =	vand.u32 $0x1, v2;
	[tilespmem:v12+s11+$0x0] =	vst.idx.add.s32.msk $0xffff, v4  }
0x62: {  	s15 =	sshll.u32 s14, $0x1;
	s16 =	simm.s32 $0x400;
	v2 =	vand.u32 $0x1, v3;
	[tilespmem:v20+s11+$0x0] =	vst.idx.add.s32.msk $0xffff, v63  }
.LBB2_5:
0x63: {  	s17 =	sshra.s32 s16, $0x2;
	p1 =	sne.s32 s16, $0x3C00;
	s16 =	sadd.s32 $0x400, s16;
	[tilespmem:v1+s11+$0x0] =	vst.idx.add.s32.msk $0xffff, v2  }
0x64: {  	v2 =	vld [tilespmem:s17+$0x19520]  }
0x65: {  	v3 =	vld [tilespmem:s17+$0x19540]  }
0x66: {  	v4 =	vld [tilespmem:s17+$0x19550]  }
0x67: {  	v1 =	vld [tilespmem:s17+$0x19560]  }
0x68: {  	v5 =	vld [tilespmem:s17+$0x19570]  }
0x69: {  	v6 =	vld [tilespmem:s17+$0x19510]  }
0x6a: {  	v7 =	vld [tilespmem:s17+$0x19500]  }
0x6b: {  	v8 =	vld [tilespmem:s17+$0x19530]  }
0x6c: {  	v9 =	vld [tilespmem:s17+$0x19490];
	v10 =	vshra.s32 v1, $0x5  }
0x6d: {  	v12 =	vshra.s32 v4, $0x5;
	v11 =	vld [tilespmem:s17+$0x19480]  }
0x6e: {  	v15 =	vshra.s32 v3, $0x5;
	v13 =	vld [tilespmem:s17+$0x194D0];
	v14 =	vshra.s32 v6, $0x5  }
0x6f: {  	v18 =	vshra.s32 v2, $0x5;
	v16 =	vld [tilespmem:s17+$0x194C0];
	v17 =	vshra.s32 v7, $0x5  }
0x70: {  	v19 =	vld [tilespmem:s17+$0x194B0];
	v20 =	vshra.s32 v8, $0x5  }
0x71: {  	v21 =	vld [tilespmem:s17+$0x194A0]  }
0x72: {  	v22 =	vld [tilespmem:s17+$0x194E0]  }
0x73: {  	v10 =	vld.idx.msk [tilespmem:v10+s2+$0x0], $0xffff  }
0x74: {  	v17 =	vld.idx.msk [tilespmem:v17+s2+$0x0], $0xffff  }
0x75: {  	v23 =	vshra.s32 v5, $0x5;
	v14 =	vld.idx.msk [tilespmem:v14+s2+$0x0], $0xffff  }
0x76: {  	v18 =	vld.idx.msk [tilespmem:v18+s2+$0x0], $0xffff  }
0x77: {  	v20 =	vld.idx.msk [tilespmem:v20+s2+$0x0], $0xffff  }
0x78: {  	v1 =	vand.u32 $0x1F, v1;
	v15 =	vld.idx.msk [tilespmem:v15+s2+$0x0], $0xffff  }
0x79: {  	v7 =	vand.u32 $0x1F, v7;
	v10 =	vshrl.u32 v10, v1;
	v12 =	vld.idx.msk [tilespmem:v12+s2+$0x0], $0xffff  }
0x7a: {  	v6 =	vand.u32 $0x1F, v6;
	v7 =	vshrl.u32 v17, v7;
	v23 =	vld.idx.msk [tilespmem:v23+s2+$0x0], $0xffff  }
0x7b: {  	v2 =	vand.u32 $0x1F, v2;
	v7 =	vand.u32 $0x1, v7;
	v6 =	vshrl.u32 v14, v6;
	v1 =	vld [tilespmem:s17+$0x194F0]  }
0x7c: {  	v8 =	vand.u32 $0x1F, v8;
	v6 =	vand.u32 $0x1, v6;
	v2 =	vshrl.u32 v18, v2;
	[tilespmem:v11+s11+$0x0] =	vst.idx.add.s32.msk $0xffff, v7  }
0x7d: {  	v3 =	vand.u32 $0x1F, v3;
	v2 =	vand.u32 $0x1, v2;
	v7 =	vshrl.u32 v20, v8;
	[tilespmem:v9+s11+$0x0] =	vst.idx.add.s32.msk $0xffff, v6  }
.Ltmp5:
0x7e: {  	v4 =	vand.u32 $0x1F, v4;
	v6 =	vand.u32 $0x1, v7;
	v3 =	vshrl.u32 v15, v3;
	[tilespmem:v21+s11+$0x0] =	vst.idx.add.s32.msk $0xffff, v2;
	(pc) =	sbr.rel @p1 .LBB2_5-.Ltmp5, $4  }
0x7f: {  	v2 =	vand.u32 $0x1, v3;
	v3 =	vshrl.u32 v12, v4;
	v4 =	vand.u32 $0x1F, v5;
	[tilespmem:v19+s11+$0x0] =	vst.idx.add.s32.msk $0xffff, v6  }
0x80: {  	v3 =	vand.u32 $0x1, v3;
	v4 =	vshrl.u32 v23, v4;
	[tilespmem:v16+s11+$0x0] =	vst.idx.add.s32.msk $0xffff, v2  }
0x81: {  	v5 =	vand.u32 $0x1, v10;
	[tilespmem:v13+s11+$0x0] =	vst.idx.add.s32.msk $0xffff, v3  }
0x82: {  	v2 =	vand.u32 $0x1, v4;
	[tilespmem:v22+s11+$0x0] =	vst.idx.add.s32.msk $0xffff, v5  }
.Ltmp6:
0x83: {  	_ = 	snop;
	(pc) =	sbr.rel @p0 .LBB2_10-.Ltmp6, $2  }
0x84: {  	_ =	sdelay $0x2  }
0x85: {  	[tilespmem:v1+s11+$0x0] =	vst.idx.add.s32.msk $0xffff, v2  }
0x86: {  	s15 =	sadd.s32 $0x2, s15  }
0x87: {  	p0 =	sge.u32 s15, s4  }
0x88: {  	s15 =	sshll.u32 @!p0 s15, $0xE  }
0x89: {  	s16 =	simm.s32 @!p0 $0x0;
	s17 =	simm.s32 @!p0 $0x19480;
	s15 =	sadd.s32 @!p0 s15, s5  }
0x8a: {  	[tilespmem:s17], [sflag:$0x1] =	stream.linear.gather @!p0 [hbm4b:s15+s16], $0x1000, $0x38;
	[tilespmem:$0x1B480] =	vst v63  }
0x8b: {  	_ =	swait.ge [sflag:s12], $0x1000  }
0x8c: {  	[sflag:s12] =	ssyncset.done $0x0  }
0x8d: {  	s31 =	simm.s32 $0x0;
	[sflag:s12] =	ssyncadd.s32 $0xFFFFF000  }
0x8e: {  	v2 =	vld [tilespmem:s31+$0x1A520]  }
0x8f: {  	v3 =	vld [tilespmem:s31+$0x1A540]  }
0x90: {  	v4 =	vld [tilespmem:s31+$0x1A550]  }
0x91: {  	v5 =	vld [tilespmem:s31+$0x1A560]  }
0x92: {  	v6 =	vld [tilespmem:s31+$0x1A570]  }
0x93: {  	v1 =	vld [tilespmem:s31+$0x1A510]  }
0x94: {  	v7 =	vld [tilespmem:s31+$0x1A500]  }
0x95: {  	v8 =	vld [tilespmem:s31+$0x1A530]  }
0x96: {  	v9 =	vld [tilespmem:s31+$0x1A490]  }
0x97: {  	v10 =	vld [tilespmem:s31+$0x1A480]  }
0x98: {  	v12 =	vld [tilespmem:s31+$0x1A4D0]  }
0x99: {  	v13 =	vld [tilespmem:s31+$0x1A4C0];
	v11 =	vshra.s32 v5, $0x5  }
0x9a: {  	v16 =	vld [tilespmem:s31+$0x1A4B0];
	v14 =	vshra.s32 v7, $0x5  }
0x9b: {  	v18 =	vld [tilespmem:s31+$0x1A4A0];
	v15 =	vshra.s32 v1, $0x5  }
0x9c: {  	v20 =	vld [tilespmem:s31+$0x1A4E0];
	v17 =	vshra.s32 v2, $0x5  }
0x9d: {  	v19 =	vshra.s32 v8, $0x5;
	v60 =	vand.u32 $0x1F, v1;
	v1 =	vld [tilespmem:s31+$0x1A4F0]  }
0x9e: {  	v21 =	vshra.s32 v3, $0x5;
	v11 =	vld.idx.msk [tilespmem:v11+s2+$0x0], $0xffff  }
0x9f: {  	v22 =	vshra.s32 v4, $0x5;
	v14 =	vld.idx.msk [tilespmem:v14+s2+$0x0], $0xffff  }
0xa0: {  	v23 =	vshra.s32 v6, $0x5;
	v15 =	vld.idx.msk [tilespmem:v15+s2+$0x0], $0xffff  }
0xa1: {  	v17 =	vld.idx.msk [tilespmem:v17+s2+$0x0], $0xffff  }
0xa2: {  	v19 =	vld.idx.msk [tilespmem:v19+s2+$0x0], $0xffff  }
0xa3: {  	v7 =	vand.u32 $0x1F, v7;
	v21 =	vld.idx.msk [tilespmem:v21+s2+$0x0], $0xffff  }
0xa4: {  	v22 =	vld.idx.msk [tilespmem:v22+s2+$0x0], $0xffff;
	v7 =	vshrl.u32 v14, v7  }
0xa5: {  	v2 =	vand.u32 $0x1F, v2;
	v23 =	vld.idx.msk [tilespmem:v23+s2+$0x0], $0xffff;
	v14 =	vshrl.u32 v15, v60;
	v7 =	vand.u32 $0x1, v7  }
0xa6: {  	v8 =	vand.u32 $0x1F, v8;
	v2 =	vshrl.u32 v17, v2;
	v14 =	vand.u32 $0x1, v14;
	[tilespmem:v10+s11+$0x0] =	vst.idx.add.s32.msk $0xffff, v7  }
0xa7: {  	v3 =	vand.u32 $0x1F, v3;
	v61 =	vshrl.u32 v19, v8;
	v2 =	vand.u32 $0x1, v2;
	[tilespmem:v9+s11+$0x0] =	vst.idx.add.s32.msk $0xffff, v14  }
0xa8: {  	v4 =	vand.u32 $0x1F, v4;
	v3 =	vshrl.u32 v21, v3;
	v7 =	vand.u32 $0x1, v61;
	[tilespmem:v18+s11+$0x0] =	vst.idx.add.s32.msk $0xffff, v2  }
0xa9: {  	v4 =	vshrl.u32 v22, v4;
	v3 =	vand.u32 $0x1, v3;
	v2 =	vand.u32 $0x1F, v5;
	[tilespmem:v16+s11+$0x0] =	vst.idx.add.s32.msk $0xffff, v7  }
0xaa: {  	v62 =	vand.u32 $0x1F, v6;
	v4 =	vand.u32 $0x1, v4;
	v2 =	vshrl.u32 v11, v2;
	[tilespmem:v13+s11+$0x0] =	vst.idx.add.s32.msk $0xffff, v3  }
0xab: {  	v3 =	vshrl.u32 v23, v62;
	v63 =	vand.u32 $0x1, v2;
	[tilespmem:v12+s11+$0x0] =	vst.idx.add.s32.msk $0xffff, v4  }
0xac: {  	s15 =	simm.s32 $0x400;
	v2 =	vand.u32 $0x1, v3;
	[tilespmem:v20+s11+$0x0] =	vst.idx.add.s32.msk $0xffff, v63  }
.LBB2_8:
0xad: {  	s16 =	sshra.s32 s15, $0x2;
	p0 =	sne.s32 s15, $0x3C00;
	s15 =	sadd.s32 $0x400, s15;
	[tilespmem:v1+s11+$0x0] =	vst.idx.add.s32.msk $0xffff, v2  }
0xae: {  	v2 =	vld [tilespmem:s16+$0x1A520]  }
0xaf: {  	v3 =	vld [tilespmem:s16+$0x1A540]  }
0xb0: {  	v4 =	vld [tilespmem:s16+$0x1A550]  }
0xb1: {  	v1 =	vld [tilespmem:s16+$0x1A560]  }
0xb2: {  	v5 =	vld [tilespmem:s16+$0x1A570]  }
0xb3: {  	v6 =	vld [tilespmem:s16+$0x1A510]  }
0xb4: {  	v7 =	vld [tilespmem:s16+$0x1A500]  }
0xb5: {  	v8 =	vld [tilespmem:s16+$0x1A530]  }
0xb6: {  	v9 =	vld [tilespmem:s16+$0x1A490];
	v10 =	vshra.s32 v1, $0x5  }
0xb7: {  	v12 =	vshra.s32 v4, $0x5;
	v11 =	vld [tilespmem:s16+$0x1A480]  }
0xb8: {  	v15 =	vshra.s32 v3, $0x5;
	v13 =	vld [tilespmem:s16+$0x1A4D0];
	v14 =	vshra.s32 v6, $0x5  }
0xb9: {  	v18 =	vshra.s32 v2, $0x5;
	v16 =	vld [tilespmem:s16+$0x1A4C0];
	v17 =	vshra.s32 v7, $0x5  }
0xba: {  	v19 =	vld [tilespmem:s16+$0x1A4B0];
	v20 =	vshra.s32 v8, $0x5  }
0xbb: {  	v21 =	vld [tilespmem:s16+$0x1A4A0]  }
0xbc: {  	v22 =	vld [tilespmem:s16+$0x1A4E0]  }
0xbd: {  	v10 =	vld.idx.msk [tilespmem:v10+s2+$0x0], $0xffff  }
0xbe: {  	v17 =	vld.idx.msk [tilespmem:v17+s2+$0x0], $0xffff  }
0xbf: {  	v23 =	vshra.s32 v5, $0x5;
	v14 =	vld.idx.msk [tilespmem:v14+s2+$0x0], $0xffff  }
0xc0: {  	v18 =	vld.idx.msk [tilespmem:v18+s2+$0x0], $0xffff  }
0xc1: {  	v20 =	vld.idx.msk [tilespmem:v20+s2+$0x0], $0xffff  }
0xc2: {  	v1 =	vand.u32 $0x1F, v1;
	v15 =	vld.idx.msk [tilespmem:v15+s2+$0x0], $0xffff  }
0xc3: {  	v7 =	vand.u32 $0x1F, v7;
	v10 =	vshrl.u32 v10, v1;
	v12 =	vld.idx.msk [tilespmem:v12+s2+$0x0], $0xffff  }
0xc4: {  	v6 =	vand.u32 $0x1F, v6;
	v7 =	vshrl.u32 v17, v7;
	v23 =	vld.idx.msk [tilespmem:v23+s2+$0x0], $0xffff  }
0xc5: {  	v2 =	vand.u32 $0x1F, v2;
	v7 =	vand.u32 $0x1, v7;
	v6 =	vshrl.u32 v14, v6;
	v1 =	vld [tilespmem:s16+$0x1A4F0]  }
0xc6: {  	v8 =	vand.u32 $0x1F, v8;
	v6 =	vand.u32 $0x1, v6;
	v2 =	vshrl.u32 v18, v2;
	[tilespmem:v11+s11+$0x0] =	vst.idx.add.s32.msk $0xffff, v7  }
0xc7: {  	v3 =	vand.u32 $0x1F, v3;
	v2 =	vand.u32 $0x1, v2;
	v7 =	vshrl.u32 v20, v8;
	[tilespmem:v9+s11+$0x0] =	vst.idx.add.s32.msk $0xffff, v6  }
.Ltmp7:
0xc8: {  	v4 =	vand.u32 $0x1F, v4;
	v6 =	vand.u32 $0x1, v7;
	v3 =	vshrl.u32 v15, v3;
	[tilespmem:v21+s11+$0x0] =	vst.idx.add.s32.msk $0xffff, v2;
	(pc) =	sbr.rel @p0 .LBB2_8-.Ltmp7, $4  }
0xc9: {  	v2 =	vand.u32 $0x1, v3;
	v3 =	vshrl.u32 v12, v4;
	v4 =	vand.u32 $0x1F, v5;
	[tilespmem:v19+s11+$0x0] =	vst.idx.add.s32.msk $0xffff, v6  }
0xca: {  	v3 =	vand.u32 $0x1, v3;
	v4 =	vshrl.u32 v23, v4;
	[tilespmem:v16+s11+$0x0] =	vst.idx.add.s32.msk $0xffff, v2  }
0xcb: {  	v5 =	vand.u32 $0x1, v10;
	[tilespmem:v13+s11+$0x0] =	vst.idx.add.s32.msk $0xffff, v3  }
0xcc: {  	v2 =	vand.u32 $0x1, v4;
	[tilespmem:v22+s11+$0x0] =	vst.idx.add.s32.msk $0xffff, v5  }
.Ltmp8:
0xcd: {  	_ = 	snop;
	(pc) =	sbr.rel .LBB2_10-.Ltmp8, $2  }
0xce: {  	_ =	sdelay $0x2  }
0xcf: {  	[tilespmem:v1+s11+$0x0] =	vst.idx.add.s32.msk $0xffff, v2  }
.LBB2_12:
0xd0: {  	_ =	sfence.sel $0x180000  }
0xd1: {  	[bflag:$0x0] =	sbarrier.arrive $0xFFFF  }
0xd2: {  	p0 =	sne.s32 s0, $0x0;
	_ =	strace $0x90000047  }
0xd3: {  	s0 =	sadd.s32 @!p0 $0x100000, s1;
	[bflag:$0x2] =	sbarrier.arrive $0xFFFF  }
0xd4: {  	[sflag:s0] =	ssyncadd.tile.s32 @!p0 $0x1;
	_ =	shalt  }
.Lfunc_end2:
_tile_overlayer_lowered:
.L_overlay_start_2:
0xd5: {  	(tag) =	ssettag $0x2  }
0xd6: {  	s0 =	rddreg [dreg:$0x0];
	s2 =	stileid.u32  }
0xd7: {  	s1 =	rddreg [dreg:$0x1];
	p0 =	sne.s32 s2, $0x0  }
0xd8: {  	s3 =	rddreg [dreg:$0x2];
	[bflag:$0x3] =	sbarrier.arrive $0xFFFF;
	s2 =	simm.s32 @!p0 $0x1C03  }
0xd9: {  	[timem:s3], [sflag:s2] =	dma.local @!p0 [hbm:s0], s1  }
0xda: {  	s0 =	simm.s32 @!p0 $0x3  }
0xdb: {  	_ =	swait.ge @!p0 [sflag:s0], s1  }
0xdc: {  	s1 =	ssub.s32 @!p0 $0x0, s1;
	[sflag:s0] =	ssyncset.done @!p0 $0x0  }
0xdd: {  	[sflag:s0] =	ssyncadd.s32 @!p0 s1  }
0xde: {  	[bflag:$0x3] =	sbarrier.arrive $0xFFFF  }
0xdf: {  	_ =	shalt  }

</sc_bundles>
